<compile_context>
chip_gen: v7x
topology: tpu7x:2x2x1
jax: 0.10.2.dev20260603
libtpu: 0.0.44.dev20260713+nightly
codegen_flags: <defaults>
</compile_context>

<pallas_src>
import jax
import jax.numpy as jnp
from jax.experimental import pallas as pl

TOPK = 256


def _mul_kernel(sr_ref, si_ref, fr_ref, fi_ref, or_ref, oi_ref):
    a = sr_ref[...]
    b = si_ref[...]
    c = fr_ref[...]
    d = fi_ref[...]
    or_ref[...] = a * c - b * d
    oi_ref[...] = a * d + b * c


def kernel(x, filter_real, filter_imag):
    seq_len = x.shape[1]
    X_f = jnp.fft.rfft(x, axis=1)
    magnitudes = jnp.abs(X_f)
    m_t = jnp.transpose(magnitudes, (0, 2, 1))
    _, idx_t = jax.lax.top_k(m_t, TOPK)
    topk_indices = jnp.transpose(idx_t, (0, 2, 1))
    selected = jnp.take_along_axis(X_f, topk_indices, axis=1)
    sr, si = jnp.real(selected), jnp.imag(selected)
    B, K, D = sr.shape
    outr, outi = pl.pallas_call(
        _mul_kernel,
        out_shape=[jax.ShapeDtypeStruct((B, K, D), jnp.float32)] * 2,
        grid=(B,),
        in_specs=[pl.BlockSpec((1, K, D), lambda b: (b, 0, 0))] * 2
        + [pl.BlockSpec((K, D), lambda b: (0, 0))] * 2,
        out_specs=[pl.BlockSpec((1, K, D), lambda b: (b, 0, 0))] * 2,
    )(sr, si, filter_real, filter_imag)
    filtered = (outr + 1j * outi).astype(jnp.complex64)
    B_, F_, D_ = X_f.shape
    b_idx = jnp.arange(B_)[:, None, None]
    d_idx = jnp.arange(D_)[None, None, :]
    X_filtered = jnp.zeros_like(X_f).at[b_idx, topk_indices, d_idx].set(filtered)
    return jnp.fft.irfft(X_filtered, n=seq_len, axis=1)

# --- scband reference (transcript-rebuilt; emitter-appended) ---
"""Pipeline reference for scband-spectral-block-12790412607791 (READ-ONLY COPY).

The authoritative reference and input builder live on the scoring server;
editing this copy changes nothing except your own understanding.
"""

import jax, jax.numpy as jnp
import numpy as np

TOP_K = 256
D_MODEL = 768

def setup_inputs(seed: int = 0) -> dict:
    key = jax.random.key(seed)
    k1, k2, k3 = jax.random.split(key, 3)
    x = jax.random.normal(k1, (4, 8192, D_MODEL), dtype=jnp.float32)
    filter_real = jax.random.normal(k2, (TOP_K, D_MODEL), dtype=jnp.float32) * 0.02
    filter_imag = jax.random.normal(k3, (TOP_K, D_MODEL), dtype=jnp.float32) * 0.02
    return {"x": x, "filter_real": filter_real, "filter_imag": filter_imag}

def reference(x, filter_real, filter_imag):
    seq_len = x.shape[1]
    X_f = jnp.fft.rfft(x, axis=1)  # [B, F, D] complex64
    magnitudes = jnp.abs(X_f)      # [B, F, D]
    k = min(TOP_K, magnitudes.shape[1])
    # torch.topk(magnitudes, k, dim=1): topk over freq axis per (batch, channel)
    m_t = jnp.transpose(magnitudes, (0, 2, 1))       # [B, D, F]
    _, idx_t = jax.lax.top_k(m_t, k)                  # [B, D, k]
    topk_indices = jnp.transpose(idx_t, (0, 2, 1))    # [B, k, D]
    selected = jnp.take_along_axis(X_f, topk_indices, axis=1)  # [B, k, D]
    cfilt = (filter_real + 1j * filter_imag).astype(jnp.complex64)  # [top_k, D]
    filtered = selected * cfilt[None, :, :]
    B, F_, D = X_f.shape
    b_idx = jnp.arange(B)[:, None, None]
    d_idx = jnp.arange(D)[None, None, :]
    X_filtered = jnp.zeros_like(X_f).at[b_idx, topk_indices, d_idx].set(filtered)
    x_out = jnp.fft.irfft(X_filtered, n=seq_len, axis=1)
    return x_out

if __name__ == "__main__":
    import jax
    _d = setup_inputs()
    print(jax.jit(kernel)(*tuple(_d.values())))

</pallas_src>

<mosaic_0001>
module attributes {stable_mosaic.version = 14 : i64} {
  func.func @_mul_kernel(%arg0: i32, %arg1: memref<1x256x768xf32, #tpu.memory_space<vmem>>, %arg2: memref<1x256x768xf32, #tpu.memory_space<vmem>>, %arg3: memref<256x768xf32, #tpu.memory_space<vmem>>, %arg4: memref<256x768xf32, #tpu.memory_space<vmem>>, %arg5: memref<1x256x768xf32, #tpu.memory_space<vmem>>, %arg6: memref<1x256x768xf32, #tpu.memory_space<vmem>>) attributes {dimension_semantics = [#tpu.dimension_semantics<arbitrary>], iteration_bounds = array<i64: 4>, scalar_prefetch = 0 : i64, scratch_operands = 0 : i64, tpu.core_type = #tpu.core_type<tc>, window_params = [{transform_indices = @transform_0, window_bounds = array<i64: 1, 256, 768>}, {transform_indices = @transform_1, window_bounds = array<i64: 1, 256, 768>}, {pipeline_mode = #tpu.pipeline_mode<synchronous>, transform_indices = @transform_2, window_bounds = array<i64: 256, 768>}, {pipeline_mode = #tpu.pipeline_mode<synchronous>, transform_indices = @transform_3, window_bounds = array<i64: 256, 768>}, {transform_indices = @transform_4, window_bounds = array<i64: 1, 256, 768>}, {transform_indices = @transform_5, window_bounds = array<i64: 1, 256, 768>}]} {
    %get3A = arith.constant 0 : index
    %get3A_0 = arith.constant 0 : index
    %get3A_1 = arith.constant 0 : index
    %get3A_2 = vector.load %arg1[%get3A, %get3A_0, %get3A_1] : memref<1x256x768xf32, #tpu.memory_space<vmem>>, vector<1x256x768xf32>
    %get3A_3 = arith.constant 0 : index
    %get3A_4 = arith.constant 0 : index
    %get3A_5 = arith.constant 0 : index
    %get3A_6 = vector.load %arg2[%get3A_3, %get3A_4, %get3A_5] : memref<1x256x768xf32, #tpu.memory_space<vmem>>, vector<1x256x768xf32>
    %get3A_7 = arith.constant 0 : index
    %get3A_8 = arith.constant 0 : index
    %get3A_9 = vector.load %arg3[%get3A_7, %get3A_8] : memref<256x768xf32, #tpu.memory_space<vmem>>, vector<256x768xf32>
    %get3A_10 = arith.constant 0 : index
    %get3A_11 = arith.constant 0 : index
    %get3A_12 = vector.load %arg4[%get3A_10, %get3A_11] : memref<256x768xf32, #tpu.memory_space<vmem>>, vector<256x768xf32>
    %broadcast_in_dim3A = vector.shape_cast %get3A_9 : vector<256x768xf32> to vector<1x256x768xf32>
    %mul3A = arith.mulf %get3A_2, %broadcast_in_dim3A : vector<1x256x768xf32>
    %broadcast_in_dim3A_13 = vector.shape_cast %get3A_12 : vector<256x768xf32> to vector<1x256x768xf32>
    %mul3A_14 = arith.mulf %get3A_6, %broadcast_in_dim3A_13 : vector<1x256x768xf32>
    %sub3A = arith.subf %mul3A, %mul3A_14 : vector<1x256x768xf32>
    %swap3A = arith.constant 0 : index
    %swap3A_15 = arith.constant 0 : index
    %swap3A_16 = arith.constant 0 : index
    %swap3A_17 = vector.load %arg5[%swap3A, %swap3A_15, %swap3A_16] : memref<1x256x768xf32, #tpu.memory_space<vmem>>, vector<1x256x768xf32>
    tpu.vector_store %arg5[%swap3A, %swap3A_15, %swap3A_16], %sub3A {strides = array<i32>} : memref<1x256x768xf32, #tpu.memory_space<vmem>>, vector<1x256x768xf32>,
    %broadcast_in_dim3A_18 = vector.shape_cast %get3A_12 : vector<256x768xf32> to vector<1x256x768xf32>
    %mul3A_19 = arith.mulf %get3A_2, %broadcast_in_dim3A_18 : vector<1x256x768xf32>
    %broadcast_in_dim3A_20 = vector.shape_cast %get3A_9 : vector<256x768xf32> to vector<1x256x768xf32>
    %mul3A_21 = arith.mulf %get3A_6, %broadcast_in_dim3A_20 : vector<1x256x768xf32>
    %add3A = arith.addf %mul3A_19, %mul3A_21 : vector<1x256x768xf32>
    %swap3A_22 = arith.constant 0 : index
    %swap3A_23 = arith.constant 0 : index
    %swap3A_24 = arith.constant 0 : index
    %swap3A_25 = vector.load %arg6[%swap3A_22, %swap3A_23, %swap3A_24] : memref<1x256x768xf32, #tpu.memory_space<vmem>>, vector<1x256x768xf32>
    tpu.vector_store %arg6[%swap3A_22, %swap3A_23, %swap3A_24], %add3A {strides = array<i32>} : memref<1x256x768xf32, #tpu.memory_space<vmem>>, vector<1x256x768xf32>,
    return
  }
  func.func @transform_0(%arg0: i32) -> (i32, i32, i32) {
    %c0_i32 = arith.constant 0 : i32
    %c0_i32_0 = arith.constant 0 : i32
    %c0_i32_1 = arith.constant 0 : i32
    return %arg0, %c0_i32, %c0_i32_0 : i32, i32, i32
  }
  func.func @transform_1(%arg0: i32) -> (i32, i32, i32) {
    %c0_i32 = arith.constant 0 : i32
    %c0_i32_0 = arith.constant 0 : i32
    %c0_i32_1 = arith.constant 0 : i32
    return %arg0, %c0_i32, %c0_i32_0 : i32, i32, i32
  }
  func.func @transform_2(%arg0: i32) -> (i32, i32) {
    %c0_i32 = arith.constant 0 : i32
    %c0_i32_0 = arith.constant 0 : i32
    %c0_i32_1 = arith.constant 0 : i32
    return %c0_i32, %c0_i32_0 : i32, i32
  }
  func.func @transform_3(%arg0: i32) -> (i32, i32) {
    %c0_i32 = arith.constant 0 : i32
    %c0_i32_0 = arith.constant 0 : i32
    %c0_i32_1 = arith.constant 0 : i32
    return %c0_i32, %c0_i32_0 : i32, i32
  }
  func.func @transform_4(%arg0: i32) -> (i32, i32, i32) {
    %c0_i32 = arith.constant 0 : i32
    %c0_i32_0 = arith.constant 0 : i32
    %c0_i32_1 = arith.constant 0 : i32
    return %arg0, %c0_i32, %c0_i32_0 : i32, i32, i32
  }
  func.func @transform_5(%arg0: i32) -> (i32, i32, i32) {
    %c0_i32 = arith.constant 0 : i32
    %c0_i32_0 = arith.constant 0 : i32
    %c0_i32_1 = arith.constant 0 : i32
    return %arg0, %c0_i32, %c0_i32_0 : i32, i32, i32
  }
}

</mosaic_0001>

<sc_bundles>
// kernel: gather_offload_async_start.1
scs
__scs_entry_jumppad:
0x0: {  	(pc) =	sbr.rel $0x88, $3  }
0x1: {  	(tag) =	ssettag $0x0;
	lr =	simm.s32 $0x1  }
0x2: {  	[smem:$0x3F9E] =	sst lr;
	_ =	strace $0xD0000000  }
0x3: {  	_ = 	snop  }
0x4: {  	_ = 	snop  }
0x5: {  	_ = 	snop  }
0x6: {  	_ = 	snop  }
0x7: {  	_ = 	snop  }
__scs_overlays_trampoline_lowered:
0x8: {  	[smem:$0x3FAD] =	sst s0  }
0x9: {  	[smem:$0x3FAE] =	sst s1  }
0xa: {  	[smem:$0x3FAF] =	sst s2  }
0xb: {  	[smem:$0x3FB0] =	sst s3  }
0xc: {  	[smem:$0x3FB1] =	sst s4  }
0xd: {  	[smem:$0x3FB2] =	sst s5  }
0xe: {  	[smem:$0x3FB3] =	sst s6  }
0xf: {  	[smem:$0x3FB4] =	sst s7  }
0x10: {  	[smem:$0x3FB5] =	sst s8  }
0x11: {  	[smem:$0x3FB6] =	sst s9;
	s0 =	simm.s32 @!p0 $0x0  }
0x12: {  	s1 =	sld [smem:$0x3F9C];
	s0 =	simm.s32 @p0 $0x1  }
0x13: {  	[smem:$0x3FB7] =	sst s0;
	s0 =	simm.s32 @!p1 $0x0  }
0x14: {  	s2 =	sld [smem:$0x3F9B];
	s0 =	simm.s32 @p1 $0x1  }
0x15: {  	[smem:$0x3FB8] =	sst s0;
	s0 =	simm.s32 @!p2 $0x0  }
0x16: {  	s3 =	sld [smem:$0x3FDB];
	s0 =	simm.s32 @p2 $0x1  }
0x17: {  	s4 =	simm.s32 $0x1BF5;
	[smem:$0x3FBA] =	sst s0  }
0x18: {  	s0 =	sld [smem:$0x3F9D];
	_ =	swait.ge [sflag:s4], $0x0  }
0x19: {  	s7 =	sld [smem:$0x3F9E]  }
0x1a: {  	s8 =	sadd.s32 $0xFFFFE003, lr  }
0x1b: {  	s9 =	sadd.s32 $0xFFFFFEF7, lr;
	s5 =	simm.s32 $0xFFFFFFFF;
	p2 =	slt.u32 s8, $0xFFFFF086  }
0x1c: {  	p1 =	slt.u32 s9, $0xF7A;
	s5 =	simm.s32 @!p2 $0x0  }
0x1d: {  	s5 =	simm.s32 @p1 $0x1;
	p0 =	seq.s32 s7, s2  }
0x1e: {  	s7 =	smul.u32 @!p0 $0xF7A, s2;
	p2 =	seq.s32 @!p0 s5, $0x0  }
0x1f: {  	s9 =	smul.u32 $0xF7A, s1;
	s8 =	simm.s32 @!p0 $0x1BF5;
	p2 =	por !p2, p0  }
0x20: {  	[sflag:s8] =	ssyncset.s32 @!p0 $0xFFFFF086;
	s6 =	sadd.s32 @!p0 s3, s7;
	s7 =	simm.s32 @!p0 $0x108  }
0x21: {  	s3 =	sadd.s32 s3, s9;
	s6 =	sadd.s32 @!p0 $0x88, s6;
	s7 =	simm.s32 @p2 $0x1082  }
0x22: {  	[simem:s7], [sflag:s8] =	dma.local @!p0 [hbm:s6], $0xF7A  }
0x23: {  	s9 =	sor.u32 $0xD0000000, s2;
	s6 =	simm.s32 $0x108;
	_ =	swait.ge @!p0 [sflag:s8], $0x0  }
0x24: {  	s3 =	sadd.s32 $0x88, s3;
	s6 =	simm.s32 @!p1 $0x1082;
	[sflag:s4] =	ssyncset.s32 $0xFFFFF086  }
0x25: {  	[simem:s6], [sflag:s4] =	dma.local [hbm:s3], $0xF7A  }
0x26: {  	[smem:$0x3F9E] =	sst s1;
	(tag) =	ssettag s2;
	_ =	strace s9  }
0x27: {  	s1 =	sld [smem:$0x3FAE]  }
0x28: {  	s2 =	sld [smem:$0x3FAF]  }
0x29: {  	s4 =	sld [smem:$0x3FB1]  }
0x2a: {  	p0 =	seq.s32 s5, $0x0;
	s5 =	sld [smem:$0x3FB2]  }
0x2b: {  	s6 =	sld [smem:$0x3FB3]  }
0x2c: {  	s7 =	sld [smem:$0x3FB4]  }
0x2d: {  	s3 =	simm.s32 $0x108;
	s8 =	sld [smem:$0x3FB5]  }
0x2e: {  	s3 =	simm.s32 @!p0 $0x1082;
	s9 =	sld [smem:$0x3FB6]  }
0x2f: {  	lr =	sadd.s32 s0, s3;
	s0 =	sld [smem:$0x3FAD]  }
0x30: {  	s3 =	sld [smem:$0x3FB0]  }
0x31: {  	[smem:$0x3FB9] =	sst s10  }
0x32: {  	s10 =	sld [smem:$0x3FB7];
	_ =	sdelay $0x3  }
0x33: {  	p0 =	seq.s32 s10, $0x1;
	s10 =	sld [smem:$0x3FB9];
	_ =	sdelay $0x3  }
0x34: {  	[smem:$0x3FB9] =	sst s10  }
0x35: {  	s10 =	sld [smem:$0x3FB8];
	_ =	sdelay $0x3  }
0x36: {  	p1 =	seq.s32 s10, $0x1;
	s10 =	sld [smem:$0x3FB9];
	_ =	sdelay $0x3  }
0x37: {  	[smem:$0x3FB9] =	sst s10  }
0x38: {  	s10 =	sld [smem:$0x3FBA]  }
0x39: {  	_ = 	snop;
	(pc) =	sbr.ind lr, $3  }
0x3a: {  	_ = 	snop  }
0x3b: {  	_ = 	snop  }
0x3c: {  	p2 =	seq.s32 s10, $0x1;
	s10 =	sld [smem:$0x3FB9]  }
0x3d: {  	_ =	shalt  }
0x3e: {  	_ =	shalt  }
0x3f: {  	_ =	shalt  }
0x40: {  	_ =	shalt  }
0x41: {  	_ =	shalt  }
0x42: {  	_ =	shalt  }
0x43: {  	_ =	shalt  }
0x44: {  	_ =	shalt  }
0x45: {  	_ =	shalt  }
0x46: {  	_ =	shalt  }
0x47: {  	_ =	shalt  }
0x48: {  	_ =	shalt  }
0x49: {  	_ =	shalt  }
0x4a: {  	_ =	shalt  }
0x4b: {  	_ =	shalt  }
0x4c: {  	_ =	shalt  }
0x4d: {  	_ =	shalt  }
0x4e: {  	_ =	shalt  }
0x4f: {  	_ =	shalt  }
0x50: {  	_ =	shalt  }
0x51: {  	_ =	shalt  }
0x52: {  	_ =	shalt  }
0x53: {  	_ =	shalt  }
0x54: {  	_ =	shalt  }
0x55: {  	_ =	shalt  }
0x56: {  	_ =	shalt  }
0x57: {  	_ =	shalt  }
0x58: {  	_ =	shalt  }
0x59: {  	_ =	shalt  }
0x5a: {  	_ =	shalt  }
0x5b: {  	_ =	shalt  }
0x5c: {  	_ =	shalt  }
0x5d: {  	_ =	shalt  }
0x5e: {  	_ =	shalt  }
0x5f: {  	_ =	shalt  }
0x60: {  	_ =	shalt  }
0x61: {  	_ =	shalt  }
0x62: {  	_ =	shalt  }
0x63: {  	_ =	shalt  }
0x64: {  	_ =	shalt  }
0x65: {  	_ =	shalt  }
0x66: {  	_ =	shalt  }
0x67: {  	_ =	shalt  }
0x68: {  	_ =	shalt  }
0x69: {  	_ =	shalt  }
0x6a: {  	_ =	shalt  }
0x6b: {  	_ =	shalt  }
0x6c: {  	_ =	shalt  }
0x6d: {  	_ =	shalt  }
0x6e: {  	_ =	shalt  }
0x6f: {  	_ =	shalt  }
0x70: {  	_ =	shalt  }
0x71: {  	_ =	shalt  }
0x72: {  	_ =	shalt  }
0x73: {  	_ =	shalt  }
0x74: {  	_ =	shalt  }
0x75: {  	_ =	shalt  }
0x76: {  	_ =	shalt  }
0x77: {  	_ =	shalt  }
0x78: {  	_ =	shalt  }
0x79: {  	_ =	shalt  }
0x7a: {  	_ =	shalt  }
0x7b: {  	_ =	shalt  }
0x7c: {  	_ =	shalt  }
0x7d: {  	_ =	shalt  }
0x7e: {  	_ =	shalt  }
0x7f: {  	_ =	shalt  }
0x80: {  	_ =	shalt  }
0x81: {  	_ =	shalt  }
0x82: {  	_ =	shalt  }
0x83: {  	_ =	shalt  }
0x84: {  	_ =	shalt  }
0x85: {  	_ =	shalt  }
0x86: {  	_ =	shalt  }
0x87: {  	_ =	shalt  }
.Lfunc_end0:
.L_simem_size_0:
called_computation.5_lowered:
.L_overlay_start_0:
0x88: {  	s2 =	sld [smem:$0x3FD9]  }
0x89: {  	s3 =	sld [smem:$0x3FFE];
	_ =	sdelay $0x1  }
0x8a: {  	s1 =	srdreg.scid  }
0x8b: {  	s0 =	sand.u32 $0x1, s1  }
0x8c: {  	s16 =	sshll.u32 s0, $0xA;
	s2 =	sadd.s32 s3, s2  }
0x8d: {  	s2 =	sadd.s32 s2, s16  }
0x8e: {  	[smem:$0x3FC5] =	sst s2  }
0x8f: {  	_ = 	snop  }
0x90: {  	(tm) =	ssettm $0x1  }
0x91: {  	s17 =	sld [smem:$0x3FFB];
	_ =	sdelay $0x3  }
0x92: {  	_ =	strace s17  }
0x93: {  	s2 =	sld [smem:$0x3FFC];
	_ =	sdelay $0x3  }
0x94: {  	_ =	strace s2  }
0x95: {  	s2 =	sld [smem:$0x3FFD];
	_ =	sdelay $0x3  }
0x96: {  	_ =	strace s2  }
0x97: {  	_ =	strace $0x8FFFFFFF  }
0x98: {  	s18 =	sld [smem:$0x3FDB];
	_ =	sdelay $0x1  }
0x99: {  	s19 =	simm.s32 $_scs_section_size  }
0x9a: {  	s4 =	simm.s32 $_size__tile_overlayer_lowered;
	s5 =	simm.s32 $_tile_overlayer_lowered  }
0x9b: {  	s22 =	simm.s32 $0x1BFF;
	s21 =	sshll.u32 s5, $0x1;
	s2 =	sadd.s32 s19, s18  }
0x9c: {  	s6 =	simm.s32 $0x0;
	s20 =	sshll.u32 s4, $0x1;
	s4 =	sadd.s32 s21, s2  }
0x9d: {  	[timem:s6], [sflag:s22] =	dma.local [hbm:s4], s20  }
0x9e: {  	_ =	swait.ge [sflag:s22], s20  }
0x9f: {  	s3 =	ssub.s32 $0x0, s20;
	[sflag:s22] =	ssyncset.done $0x0  }
0xa0: {  	[sflag:s22] =	ssyncadd.s32 s3;
	_ =	sdelay $0x1  }
0xa1: {  	s23 =	simm.s32 $0x1B8B  }
0xa2: {  	_ =	swait.ge [sflag:s23], $0x1  }
0xa3: {  	[sflag:s23] =	ssyncset.done $0x0  }
0xa4: {  	s25 =	simm.s32 $0x1B8E;
	s24 =	sld [smem:$0x3FFE];
	[sflag:s23] =	ssyncadd.s32 $0xFFFFFFFF  }
0xa5: {  	s26 =	simm.s32 $execute0_lowered;
	[smem:$0x3FD2] =	sst s25  }
0xa6: {  	s4 =	sshll.u32 s26, $0x1;
	_ =	strace $0x80000049;
	[dreg:$0x1] =	wrdreg $0xFFFFFFFF  }
0xa7: {  	s28 =	simm.s32 $_size_execute0_lowered;
	s2 =	sadd.s32 s2, s4;
	[dreg:$0x0] =	wrdreg $0x0  }
0xa8: {  	s4 =	sshll.u32 s28, $0x1;
	[dreg:$0x2] =	wrdreg s2  }
0xa9: {  	[dreg:$0x3] =	wrdreg s4  }
0xaa: {  	[dreg:$0x4] =	wrdreg $0xC0  }
0xab: {  	_ =	task [dreg:s6], $0x5FFFF  }
0xac: {  	[dreg:$0x1] =	wrdreg $0xFFFFFFFF  }
0xad: {  	[dreg:$0x0] =	wrdreg $0x60  }
0xae: {  	[dreg:$0x2] =	wrdreg s24  }
0xaf: {  	[dreg:$0x3] =	wrdreg $0x9  }
0xb0: {  	_ =	task.clear_ibuf [dreg:s6], $0x4FFFF;
	_ =	strace $0x90000049  }
0xb1: {  	s29 =	simm.s32 $0x9;
	_ =	strace $0x8000004B  }
0xb2: {  	_ =	swait.ge [sflag:s29], $0x1  }
0xb3: {  	[sflag:s29] =	ssyncadd.s32 $0xFFFFFFFF  }
0xb4: {  	_ =	strace $0x9000004B  }
0xb5: {  	_ =	sfence  }
0xb6: {  	s30 =	sld [smem:$0x0];
	_ =	sdelay $0x2  }
0xb7: {  	s31 =	sshll.u32 s1, $0xD;
	s1 =	sshrl.u32 s1, $0x2  }
0xb8: {  	s3 =	sand.u32 $0x4000, s31;
	s1 =	sadd.s32 s1, s30  }
0xb9: {  	s0 =	sor.u32 s3, s0;
	s1 =	sshll.u32 s1, $0x11  }
0xba: {  	s0 =	sor.u32 s1, s0  }
0xbb: {  	s0 =	sadd.s32 $0x8F2B, s0  }
0xbc: {  	[sflag:s0] =	ssyncadd.remote.s32 $0x1  }
0xbd: {  	_ =	sfence.sel $0xFFFF  }
0xbe: {  	[dreg:$0x0] =	wrdreg $0xFFFFFFFF;
	(pc) =	sbr.abs _section_cstart, $3  }
0xbf: {  	[dreg:$0x1] =	wrdreg $0xFFFFFFFF  }
0xc0: {  	_ =	task.clear_ibuf [dreg:s6], $0x2FFFF;
	_ =	strace $0x9FFFFFFF  }
0xc1: {  	(tm) =	ssettm $0x7FFFFFFF  }
tec
execute0_lowered:
.L_overlay_start_1:
0x0: {  	(tag) =	ssettag $0x1  }
0x1: {  	s1 =	srdreg.scid  }
0x2: {  	s0 =	stileid.u32;
	s2 =	rddreg [dreg:$0x0];
	s6 =	simm.s32 $0x1  }
0x3: {  	s9 =	simm.s32 $0x1;
	s10 =	simm.s32 $0x3;
	s1 =	sshll.u32 s1, $0xE  }
0x4: {  	s13 =	simm.s32 $0x0;
	s3 =	sshll.u32 s0, $0xF;
	s4 =	sand.u32 $0x4000, s1  }
0x5: {  	s12 =	simm.s32 $0x0;
	s5 =	sadd.s32 $0x30000, s2;
	s3 =	sor.u32 s3, s4  }
0x6: {  	s1 =	rddreg [dreg:$0x1];
	_ =	strace $0x8000004A;
	s8 =	ssub.s32 $0xC0000, s3  }
.Ltmp0:
0x7: {  	s4 =	sadd.s32 $0x78C000, s2;
	s7 =	sand.u32 $0x7C000, s8;
	(pc) =	sbr.rel .LBB2_1-.Ltmp0, $4  }
0x8: {  	[sflag:s6] =	ssyncpa.u1 $0x0;
	s11 =	smov.u32 s3;
	p0 =	sne.s32 s7, $0x0  }
0x9: {  	s8 =	sshrl.u32 s8, $0x13;
	s7 =	simm.s32 $0x2;
	s9 =	simm.s32 @!p0 $0x0  }
0xa: {  	[sflag:s7] =	ssyncpa.u1 $0x0;
	p0 =	por $0x0, $0x0;
	s8 =	sadd.s32 s9, s8  }
0xb: {  	vm0 =	vmmov $0xffff;
	[sflag:s10] =	ssyncpa.u1 $0x0;
	s10 =	simm.s32 $0x0;
	s9 =	sadd.s32 $0x1, s8  }
.LBB2_4:
0xc: {  	v6 =	vand.u32 $0x7F, v4;
	v3 =	vsel vm1, $0xFFCE8000, v3  }
0xd: {  	v5 =	vmul.u32 $0x8400, v5;
	vm1 =	vmmov vm2;
	v56 =	vshll.u32 v4, $0x3  }
0xe: {  	v7 =	vand.u32 $0x3, v1;
	v2 =	vshll.u32 v2, $0x7;
	v57 =	vshrl.u32 v1, $0x2  }
0xf: {  	v58 =	vshrl.u32 v1, $0xC;
	v3 =	vor.u32 v3, v6;
	v4 =	vand.u32 $0xFFFFFC00, v56  }
0x10: {  	v2 =	vand.u32 $0x380, v2;
	v3 =	vadd.s32 v5, v3;
	v5 =	vand.u32 $0x3FF, v57  }
0x11: {  	v1 =	vand.u32 $0x1FFF, v58;
	v59 =	vmul.u32 $0x318000, v7;
	v5 =	vsel vm1, $0xFFFFFFFF, v5  }
0x12: {  	v1 =	vsel vm1, $0xFFFFFFFF, v1;
	v3 =	vadd.s32 v4, v3;
	v60 =	vshrl.u32 v5, $0x3  }
0x13: {  	v61 =	vand.u32 $0x7F, v1;
	v6 =	vsel vm1, $0xFFCE8000, v59;
	v4 =	vmul.u32 $0x8400, v60  }
0x14: {  	v1 =	vshll.u32 v1, $0x3;
	v2 =	vor.u32 v2, v3;
	v62 =	vor.u32 v6, v61  }
0x15: {  	v1 =	vand.u32 $0xFFFFFC00, v1;
	v5 =	vshll.u32 v5, $0x7;
	v3 =	vadd.s32 v4, v62  }
0x16: {  	v63 =	vand.u32 $0x380, v5;
	v1 =	vadd.s32 v1, v3  }
0x17: {  	(ifvalue) =	ssetifvalue $0x7FFFFFFF;
	s15 =	sadd.s32 $0x10, s15;
	v1 =	vor.u32 v63, v1  }
0x18: {  	[tilespmem:s15], [sflag:$0x1] =	stream.indirect_vreg.gather [hbm4b:s4+s10], $0x1, v0, vm0, $0x4038;
	[tilespmem:$0x10000] =	vst v63  }
0x19: {  	(ifvalue) =	ssetifvalue $0x7FFFFFFF;
	s15 =	sadd.s32 $0x10, s15  }
0x1a: {  	[tilespmem:s15], [sflag:$0x1] =	stream.indirect_vreg.gather [hbm4b:s4+s10], $0x1, v2, vm0, $0x4038;
	[tilespmem:$0x10000] =	vst v63  }
0x1b: {  	(ifvalue) =	ssetifvalue $0x7FFFFFFF;
	s15 =	sadd.s32 $0x10, s15  }
0x1c: {  	[tilespmem:s15], [sflag:$0x1] =	stream.indirect_vreg.gather [hbm4b:s4+s10], $0x1, v1, vm0, $0x4038;
	[tilespmem:$0x10000] =	vst v63  }
0x1d: {  	_ =	swait.ge [sflag:s6], $0x4000  }
0x1e: {  	s30 =	sshrl.u32 s13, $0x3;
	[sflag:s6] =	ssyncset.done $0x0  }
0x1f: {  	s31 =	sand.u32 $0x7, s13;
	s15 =	sadd.s32 s5, s30;
	[sflag:s6] =	ssyncadd.s32 $0xFFFFC000  }
0x20: {  	[hbm4b:s15+s31] =	stream.linear.scatter [tilespmem:s14], [sflag:$0x3], $0x4000, $0x38;
	[tilespmem:$0x10000] =	vst v63  }
.LBB2_5:
0x21: {  	s15 =	sadd.s32 $0x80000, s11  }
0x22: {  	p2 =	sgt.s32 s15, $0xBFFFF  }
0x23: {  	s15 =	smov.u32 @p2 s3;
	p2 =	sne.s32 s12, s9  }
.Ltmp1:
0x24: {  	p1 =	slt.u32 s12, $0x2;
	(pc) =	sbr.rel @!p2 .LBB2_6-.Ltmp1, $4  }
0x25: {  	s14 =	simm.s32 @!p1 $0x3  }
0x26: {  	s16 =	sadd.s32 $0x1, s12;
	_ =	swait.ge @!p1 [sflag:s14], $0x4000  }
0x27: {  	s13 =	smov.u32 s11;
	p0 =	por !p0, !p0;
	[sflag:s14] =	ssyncset.done @!p1 $0x0  }
0x28: {  	s12 =	smov.u32 s16;
	s11 =	smov.u32 s15;
	[sflag:s14] =	ssyncadd.s32 @!p1 $0xFFFFC000  }
.LBB2_1:
0x29: {  	p1 =	sge.u32 s12, s8  }
0x2a: {  	s14 =	sxor.u32 @!p1 $0xFFFFFFFF, s12  }
0x2b: {  	s31 =	sadd.s32 $0xFFFFFFFF, s12;
	s15 =	sshrl.u32 @!p1 s11, $0x3;
	s14 =	sshll.u32 @!p1 s14, $0xE  }
0x2c: {  	s16 =	sand.u32 @!p1 $0x7, s11;
	s15 =	sadd.s32 @!p1 s2, s15;
	s14 =	sand.u32 @!p1 $0x4000, s14  }
0x2d: {  	[tilespmem:s14], [sflag:$0x2] =	stream.linear.gather @!p1 [hbm4b:s15+s16], $0x4000, $0x38;
	[tilespmem:$0x10000] =	vst v63  }
0x2e: {  	p1 =	sge.u32 s31, s8  }
.Ltmp2:
0x2f: {  	_ = 	snop;
	(pc) =	sbr.rel @p1 .LBB2_5-.Ltmp2, $1  }
0x30: {  	_ =	sdelay $0x3  }
0x31: {  	s14 =	simm.s32 $0x1  }
0x32: {  	_ =	swait.ge [sflag:s7], $0x4000;
	s14 =	simm.s32 @!p0 $0x0  }
0x33: {  	[sflag:s7] =	ssyncset.done $0x0;
	s14 =	sshll.u32 s14, $0xE  }
0x34: {  	[sflag:s7] =	ssyncadd.s32 $0xFFFFC000;
	(ifvalue) =	ssetifvalue $0x7FFFFFFF;
	v0 =	vld.msk [tilespmem:s14+$0x0 ss:$0x1], $0xffff;
	_ =	sdelay $0x1  }
0x35: {  	s15 =	sadd.s32 $0x10, s14  }
0x36: {  	v1 =	vld.msk [tilespmem:s15+$0x0 ss:$0x1], $0xffff;
	s15 =	sadd.s32 $0x10, s15  }
0x37: {  	v6 =	vld.msk [tilespmem:s15+$0x0 ss:$0x1], $0xffff  }
0x38: {  	vm1 =	veq.s32 v0, $0x80000000;
	v2 =	vand.u32 $0x3, v0  }
0x39: {  	v3 =	vshrl.u32 v0, $0x2;
	v0 =	vshrl.u32 v0, $0xC;
	vm1 =	vmmov vm1  }
0x3a: {  	v3 =	vand.u32 $0x3FF, v3;
	v0 =	vand.u32 $0x1FFF, v0;
	v2 =	vmul.u32 $0x318000, v2  }
0x3b: {  	vm2 =	veq.s32 v1, $0x80000000;
	v7 =	vand.u32 $0x3, v1;
	v3 =	vsel vm1, $0xFFFFFFFF, v3  }
0x3c: {  	v0 =	vsel vm1, $0xFFFFFFFF, v0;
	v8 =	vand.u32 $0x3, v6;
	v4 =	vshrl.u32 v3, $0x3  }
0x3d: {  	v5 =	vand.u32 $0x7F, v0;
	v2 =	vsel vm1, $0xFFCE8000, v2;
	vm1 =	vmmov vm2  }
0x3e: {  	v0 =	vshll.u32 v0, $0x3;
	v3 =	vshll.u32 v3, $0x7;
	v4 =	vmul.u32 $0x8400, v4  }
0x3f: {  	v2 =	vor.u32 v2, v5;
	v0 =	vand.u32 $0xFFFFFC00, v0;
	v3 =	vand.u32 $0x380, v3  }
0x40: {  	v2 =	vadd.s32 v4, v2;
	v4 =	vshrl.u32 v1, $0x2;
	v1 =	vshrl.u32 v1, $0xC  }
0x41: {  	v0 =	vadd.s32 v0, v2;
	v2 =	vand.u32 $0x3FF, v4;
	v1 =	vand.u32 $0x1FFF, v1  }
0x42: {  	v0 =	vor.u32 v3, v0;
	v2 =	vsel vm1, $0xFFFFFFFF, v2;
	v3 =	vmul.u32 $0x318000, v7  }
0x43: {  	vm2 =	veq.s32 v6, $0x80000000;
	v4 =	vsel vm1, $0xFFFFFFFF, v1;
	v1 =	vshrl.u32 v2, $0x3  }
0x44: {  	s17 =	sadd.s32 $0x10, s15;
	v5 =	vand.u32 $0x7F, v4;
	v3 =	vsel vm1, $0xFFCE8000, v3;
	v7 =	vmul.u32 $0x8400, v1  }
0x45: {  	v4 =	vshll.u32 v4, $0x3;
	v2 =	vshll.u32 v2, $0x7;
	v1 =	vld.msk [tilespmem:s17+$0x0 ss:$0x1], $0xffff;
	v3 =	vor.u32 v3, v5  }
0x46: {  	vm1 =	vmmov vm2;
	v4 =	vand.u32 $0xFFFFFC00, v4;
	v3 =	vadd.s32 v7, v3  }
0x47: {  	s31 =	sshll.u32 s12, $0xE;
	s15 =	sor.u32 $0x8000, s14;
	(ifvalue) =	ssetifvalue $0x7FFFFFFF;
	v2 =	vand.u32 $0x380, v2;
	v5 =	vshrl.u32 v6, $0x2;
	v3 =	vadd.s32 v4, v3  }
0x48: {  	[tilespmem:s15], [sflag:$0x1] =	stream.indirect_vreg.gather [hbm4b:s4+s10], $0x1, v0, vm0, $0x4038;
	v4 =	vand.u32 $0x3FF, v5;
	v5 =	vshrl.u32 v6, $0xC;
	v0 =	vor.u32 v2, v3;
	[tilespmem:$0x10000] =	vst v63  }
0x49: {  	s14 =	sand.u32 $0x4000, s31;
	v2 =	vsel vm1, $0xFFFFFFFF, v4;
	v4 =	vand.u32 $0x1FFF, v5;
	v3 =	vmul.u32 $0x318000, v8  }
0x4a: {  	s16 =	simm.s32 $0x30;
	s14 =	sor.u32 $0x8000, s14;
	s17 =	sadd.s32 $0x10, s17;
	vm2 =	veq.s32 v1, $0x80000000;
	v4 =	vsel vm1, $0xFFFFFFFF, v4;
	v5 =	vshrl.u32 v2, $0x3  }
.LBB2_3:
0x4b: {  	v7 =	vand.u32 $0x7F, v4  }
0x4c: {  	v6 =	vld.msk [tilespmem:s17+$0x0 ss:$0x1], $0xffff;
	v3 =	vsel vm1, $0xFFCE8000, v3;
	v5 =	vmul.u32 $0x8400, v5;
	vm1 =	vmmov vm2;
	s16 =	sadd.s32 $0x10, s16  }
0x4d: {  	v8 =	vand.u32 $0x3, v1;
	v4 =	vshll.u32 v4, $0x3;
	s15 =	sadd.s32 $0x10, s15;
	v3 =	vor.u32 v3, v7;
	(ifvalue) =	ssetifvalue $0x7FFFFFFF;
	p1 =	slt.u32 s16, $0x3FF0  }
0x4e: {  	[tilespmem:s15], [sflag:$0x1] =	stream.indirect_vreg.gather [hbm4b:s4+s10], $0x1, v0, vm0, $0x4038;
	[tilespmem:$0x10000] =	vst v63  }
.Ltmp3:
0x4f: {  	v2 =	vshll.u32 v2, $0x7;
	v4 =	vand.u32 $0xFFFFFC00, v4;
	v3 =	vadd.s32 v5, v3;
	(pc) =	sbr.rel @p1 .LBB2_3-.Ltmp3, $4  }
0x50: {  	v2 =	vand.u32 $0x380, v2;
	v0 =	vshrl.u32 v1, $0x2;
	v3 =	vadd.s32 v4, v3  }
0x51: {  	v9 =	vshrl.u32 v1, $0xC;
	v4 =	vand.u32 $0x3FF, v0;
	v0 =	vor.u32 v2, v3  }
0x52: {  	v7 =	vand.u32 $0x1FFF, v9;
	v2 =	vsel vm1, $0xFFFFFFFF, v4;
	v3 =	vmul.u32 $0x318000, v8  }
0x53: {  	s17 =	sadd.s32 $0x10, s17;
	v4 =	vsel vm1, $0xFFFFFFFF, v7;
	vm2 =	veq.s32 v6, $0x80000000;
	v5 =	vshrl.u32 v2, $0x3;
	v1 =	vmovc v6  }
.Ltmp4:
0x54: {  	_ = 	snop;
	(pc) =	sbr.rel .LBB2_4-.Ltmp4, $1  }
0x55: {  	_ =	sdelay $0x3  }
.LBB2_6:
0x56: {  	_ =	sfence.sel $0x180000  }
0x57: {  	s2 =	simm.s32 $0x2;
	[bflag:$0x0] =	sbarrier.arrive $0xFFFF  }
0x58: {  	s30 =	simm.s32 $0x3;
	[sflag:s2] =	ssyncpa.u1 $0x1  }
0x59: {  	s31 =	simm.s32 $0x1;
	[sflag:s30] =	ssyncpa.u1 $0x1  }
0x5a: {  	[sflag:s31] =	ssyncpa.u1 $0x1  }
0x5b: {  	p0 =	sne.s32 s0, $0x0;
	_ =	strace $0x9000004A  }
0x5c: {  	s0 =	sadd.s32 @!p0 $0x100000, s1;
	[bflag:$0x2] =	sbarrier.arrive $0xFFFF  }
0x5d: {  	[sflag:s0] =	ssyncadd.tile.s32 @!p0 $0x1;
	_ =	shalt  }
.Lfunc_end2:
_tile_overlayer_lowered:
.L_overlay_start_2:
0x5e: {  	(tag) =	ssettag $0x2  }
0x5f: {  	s0 =	rddreg [dreg:$0x0];
	s2 =	stileid.u32  }
0x60: {  	s1 =	rddreg [dreg:$0x1];
	p0 =	sne.s32 s2, $0x0  }
0x61: {  	s3 =	rddreg [dreg:$0x2];
	[bflag:$0x3] =	sbarrier.arrive $0xFFFF;
	s2 =	simm.s32 @!p0 $0x1C01  }
0x62: {  	[timem:s3], [sflag:s2] =	dma.local @!p0 [hbm:s0], s1  }
0x63: {  	s0 =	simm.s32 @!p0 $0x1  }
0x64: {  	_ =	swait.ge @!p0 [sflag:s0], s1  }
0x65: {  	s1 =	ssub.s32 @!p0 $0x0, s1;
	[sflag:s0] =	ssyncset.done @!p0 $0x0  }
0x66: {  	[sflag:s0] =	ssyncadd.s32 @!p0 s1  }
0x67: {  	[bflag:$0x3] =	sbarrier.arrive $0xFFFF  }
0x68: {  	_ =	shalt  }

// kernel: gather_offload_async_start
scs
__scs_entry_jumppad:
0x0: {  	(pc) =	sbr.rel $0x88, $3  }
0x1: {  	(tag) =	ssettag $0x0;
	lr =	simm.s32 $0x1  }
0x2: {  	[smem:$0x3F9E] =	sst lr;
	_ =	strace $0xD0000000  }
0x3: {  	_ = 	snop  }
0x4: {  	_ = 	snop  }
0x5: {  	_ = 	snop  }
0x6: {  	_ = 	snop  }
0x7: {  	_ = 	snop  }
__scs_overlays_trampoline_lowered:
0x8: {  	[smem:$0x3FAD] =	sst s0  }
0x9: {  	[smem:$0x3FAE] =	sst s1  }
0xa: {  	[smem:$0x3FAF] =	sst s2  }
0xb: {  	[smem:$0x3FB0] =	sst s3  }
0xc: {  	[smem:$0x3FB1] =	sst s4  }
0xd: {  	[smem:$0x3FB2] =	sst s5  }
0xe: {  	[smem:$0x3FB3] =	sst s6  }
0xf: {  	[smem:$0x3FB4] =	sst s7  }
0x10: {  	[smem:$0x3FB5] =	sst s8  }
0x11: {  	[smem:$0x3FB6] =	sst s9;
	s0 =	simm.s32 @!p0 $0x0  }
0x12: {  	s1 =	sld [smem:$0x3F9C];
	s0 =	simm.s32 @p0 $0x1  }
0x13: {  	[smem:$0x3FB7] =	sst s0;
	s0 =	simm.s32 @!p1 $0x0  }
0x14: {  	s2 =	sld [smem:$0x3F9B];
	s0 =	simm.s32 @p1 $0x1  }
0x15: {  	[smem:$0x3FB8] =	sst s0;
	s0 =	simm.s32 @!p2 $0x0  }
0x16: {  	s3 =	sld [smem:$0x3FDB];
	s0 =	simm.s32 @p2 $0x1  }
0x17: {  	s4 =	simm.s32 $0x1BF5;
	[smem:$0x3FBA] =	sst s0  }
0x18: {  	s0 =	sld [smem:$0x3F9D];
	_ =	swait.ge [sflag:s4], $0x0  }
0x19: {  	s7 =	sld [smem:$0x3F9E]  }
0x1a: {  	s8 =	sadd.s32 $0xFFFFE003, lr  }
0x1b: {  	s9 =	sadd.s32 $0xFFFFFEF7, lr;
	s5 =	simm.s32 $0xFFFFFFFF;
	p2 =	slt.u32 s8, $0xFFFFF086  }
0x1c: {  	p1 =	slt.u32 s9, $0xF7A;
	s5 =	simm.s32 @!p2 $0x0  }
0x1d: {  	s5 =	simm.s32 @p1 $0x1;
	p0 =	seq.s32 s7, s2  }
0x1e: {  	s7 =	smul.u32 @!p0 $0xF7A, s2;
	p2 =	seq.s32 @!p0 s5, $0x0  }
0x1f: {  	s9 =	smul.u32 $0xF7A, s1;
	s8 =	simm.s32 @!p0 $0x1BF5;
	p2 =	por !p2, p0  }
0x20: {  	[sflag:s8] =	ssyncset.s32 @!p0 $0xFFFFF086;
	s6 =	sadd.s32 @!p0 s3, s7;
	s7 =	simm.s32 @!p0 $0x108  }
0x21: {  	s3 =	sadd.s32 s3, s9;
	s6 =	sadd.s32 @!p0 $0x88, s6;
	s7 =	simm.s32 @p2 $0x1082  }
0x22: {  	[simem:s7], [sflag:s8] =	dma.local @!p0 [hbm:s6], $0xF7A  }
0x23: {  	s9 =	sor.u32 $0xD0000000, s2;
	s6 =	simm.s32 $0x108;
	_ =	swait.ge @!p0 [sflag:s8], $0x0  }
0x24: {  	s3 =	sadd.s32 $0x88, s3;
	s6 =	simm.s32 @!p1 $0x1082;
	[sflag:s4] =	ssyncset.s32 $0xFFFFF086  }
0x25: {  	[simem:s6], [sflag:s4] =	dma.local [hbm:s3], $0xF7A  }
0x26: {  	[smem:$0x3F9E] =	sst s1;
	(tag) =	ssettag s2;
	_ =	strace s9  }
0x27: {  	s1 =	sld [smem:$0x3FAE]  }
0x28: {  	s2 =	sld [smem:$0x3FAF]  }
0x29: {  	s4 =	sld [smem:$0x3FB1]  }
0x2a: {  	p0 =	seq.s32 s5, $0x0;
	s5 =	sld [smem:$0x3FB2]  }
0x2b: {  	s6 =	sld [smem:$0x3FB3]  }
0x2c: {  	s7 =	sld [smem:$0x3FB4]  }
0x2d: {  	s3 =	simm.s32 $0x108;
	s8 =	sld [smem:$0x3FB5]  }
0x2e: {  	s3 =	simm.s32 @!p0 $0x1082;
	s9 =	sld [smem:$0x3FB6]  }
0x2f: {  	lr =	sadd.s32 s0, s3;
	s0 =	sld [smem:$0x3FAD]  }
0x30: {  	s3 =	sld [smem:$0x3FB0]  }
0x31: {  	[smem:$0x3FB9] =	sst s10  }
0x32: {  	s10 =	sld [smem:$0x3FB7];
	_ =	sdelay $0x3  }
0x33: {  	p0 =	seq.s32 s10, $0x1;
	s10 =	sld [smem:$0x3FB9];
	_ =	sdelay $0x3  }
0x34: {  	[smem:$0x3FB9] =	sst s10  }
0x35: {  	s10 =	sld [smem:$0x3FB8];
	_ =	sdelay $0x3  }
0x36: {  	p1 =	seq.s32 s10, $0x1;
	s10 =	sld [smem:$0x3FB9];
	_ =	sdelay $0x3  }
0x37: {  	[smem:$0x3FB9] =	sst s10  }
0x38: {  	s10 =	sld [smem:$0x3FBA]  }
0x39: {  	_ = 	snop;
	(pc) =	sbr.ind lr, $3  }
0x3a: {  	_ = 	snop  }
0x3b: {  	_ = 	snop  }
0x3c: {  	p2 =	seq.s32 s10, $0x1;
	s10 =	sld [smem:$0x3FB9]  }
0x3d: {  	_ =	shalt  }
0x3e: {  	_ =	shalt  }
0x3f: {  	_ =	shalt  }
0x40: {  	_ =	shalt  }
0x41: {  	_ =	shalt  }
0x42: {  	_ =	shalt  }
0x43: {  	_ =	shalt  }
0x44: {  	_ =	shalt  }
0x45: {  	_ =	shalt  }
0x46: {  	_ =	shalt  }
0x47: {  	_ =	shalt  }
0x48: {  	_ =	shalt  }
0x49: {  	_ =	shalt  }
0x4a: {  	_ =	shalt  }
0x4b: {  	_ =	shalt  }
0x4c: {  	_ =	shalt  }
0x4d: {  	_ =	shalt  }
0x4e: {  	_ =	shalt  }
0x4f: {  	_ =	shalt  }
0x50: {  	_ =	shalt  }
0x51: {  	_ =	shalt  }
0x52: {  	_ =	shalt  }
0x53: {  	_ =	shalt  }
0x54: {  	_ =	shalt  }
0x55: {  	_ =	shalt  }
0x56: {  	_ =	shalt  }
0x57: {  	_ =	shalt  }
0x58: {  	_ =	shalt  }
0x59: {  	_ =	shalt  }
0x5a: {  	_ =	shalt  }
0x5b: {  	_ =	shalt  }
0x5c: {  	_ =	shalt  }
0x5d: {  	_ =	shalt  }
0x5e: {  	_ =	shalt  }
0x5f: {  	_ =	shalt  }
0x60: {  	_ =	shalt  }
0x61: {  	_ =	shalt  }
0x62: {  	_ =	shalt  }
0x63: {  	_ =	shalt  }
0x64: {  	_ =	shalt  }
0x65: {  	_ =	shalt  }
0x66: {  	_ =	shalt  }
0x67: {  	_ =	shalt  }
0x68: {  	_ =	shalt  }
0x69: {  	_ =	shalt  }
0x6a: {  	_ =	shalt  }
0x6b: {  	_ =	shalt  }
0x6c: {  	_ =	shalt  }
0x6d: {  	_ =	shalt  }
0x6e: {  	_ =	shalt  }
0x6f: {  	_ =	shalt  }
0x70: {  	_ =	shalt  }
0x71: {  	_ =	shalt  }
0x72: {  	_ =	shalt  }
0x73: {  	_ =	shalt  }
0x74: {  	_ =	shalt  }
0x75: {  	_ =	shalt  }
0x76: {  	_ =	shalt  }
0x77: {  	_ =	shalt  }
0x78: {  	_ =	shalt  }
0x79: {  	_ =	shalt  }
0x7a: {  	_ =	shalt  }
0x7b: {  	_ =	shalt  }
0x7c: {  	_ =	shalt  }
0x7d: {  	_ =	shalt  }
0x7e: {  	_ =	shalt  }
0x7f: {  	_ =	shalt  }
0x80: {  	_ =	shalt  }
0x81: {  	_ =	shalt  }
0x82: {  	_ =	shalt  }
0x83: {  	_ =	shalt  }
0x84: {  	_ =	shalt  }
0x85: {  	_ =	shalt  }
0x86: {  	_ =	shalt  }
0x87: {  	_ =	shalt  }
.Lfunc_end0:
.L_simem_size_0:
called_computation.4_lowered:
.L_overlay_start_0:
0x88: {  	s2 =	sld [smem:$0x3FD9]  }
0x89: {  	s3 =	sld [smem:$0x3FFE];
	_ =	sdelay $0x1  }
0x8a: {  	s1 =	srdreg.scid  }
0x8b: {  	s0 =	sand.u32 $0x1, s1  }
0x8c: {  	s17 =	sshll.u32 s0, $0xA;
	s2 =	sadd.s32 s3, s2  }
0x8d: {  	s2 =	sadd.s32 s2, s17  }
0x8e: {  	[smem:$0x3FC5] =	sst s2  }
0x8f: {  	_ = 	snop  }
0x90: {  	s2 =	sld [smem:$0x3FD0];
	(tm) =	ssettm $0x1  }
0x91: {  	s18 =	sld [smem:$0x3FFB];
	_ =	sdelay $0x3  }
0x92: {  	_ =	strace s18  }
0x93: {  	s3 =	sld [smem:$0x3FFC];
	_ =	sdelay $0x3  }
0x94: {  	_ =	strace s3  }
0x95: {  	s3 =	sld [smem:$0x3FFD];
	_ =	sdelay $0x3  }
0x96: {  	_ =	strace s3  }
0x97: {  	_ =	strace $0x8FFFFFFF  }
0x98: {  	s19 =	sld [smem:$0x3FDB];
	_ =	sdelay $0x1  }
0x99: {  	s4 =	simm.s32 $_scs_section_size  }
0x9a: {  	s5 =	simm.s32 $_size__tile_overlayer_lowered;
	s6 =	simm.s32 $_tile_overlayer_lowered  }
0x9b: {  	s22 =	simm.s32 $0x1BFF;
	s21 =	sshll.u32 s6, $0x1;
	s3 =	sadd.s32 s4, s19  }
0x9c: {  	s7 =	simm.s32 $0x0;
	s20 =	sshll.u32 s5, $0x1;
	s5 =	sadd.s32 s21, s3  }
0x9d: {  	[timem:s7], [sflag:s22] =	dma.local [hbm:s5], s20  }
0x9e: {  	_ =	swait.ge [sflag:s22], s20  }
0x9f: {  	s4 =	ssub.s32 $0x0, s20;
	[sflag:s22] =	ssyncset.done $0x0  }
0xa0: {  	[sflag:s22] =	ssyncadd.s32 s4;
	_ =	sdelay $0x1  }
0xa1: {  	s23 =	simm.s32 $0x1B8B  }
0xa2: {  	_ =	swait.ge [sflag:s23], $0x1  }
0xa3: {  	[sflag:s23] =	ssyncset.done $0x0  }
0xa4: {  	s25 =	simm.s32 $0x1B8E;
	s24 =	sld [smem:$0x3FFE];
	[sflag:s23] =	ssyncadd.s32 $0xFFFFFFFF  }
0xa5: {  	s26 =	simm.s32 $execute0_lowered;
	[smem:$0x3FD2] =	sst s25  }
0xa6: {  	s5 =	sshll.u32 s26, $0x1;
	_ =	strace $0x8000004C;
	[dreg:$0x1] =	wrdreg $0xFFFFFFFF  }
0xa7: {  	s28 =	simm.s32 $_size_execute0_lowered;
	s3 =	sadd.s32 s3, s5;
	[dreg:$0x0] =	wrdreg $0x0  }
0xa8: {  	s5 =	sshll.u32 s28, $0x1;
	[dreg:$0x2] =	wrdreg s3  }
0xa9: {  	[dreg:$0x3] =	wrdreg s5  }
0xaa: {  	[dreg:$0x4] =	wrdreg $0xC0  }
0xab: {  	_ =	task [dreg:s7], $0x5FFFF  }
0xac: {  	[dreg:$0x1] =	wrdreg $0xFFFFFFFF  }
0xad: {  	[dreg:$0x0] =	wrdreg $0x60  }
0xae: {  	[dreg:$0x2] =	wrdreg s2  }
0xaf: {  	[dreg:$0x3] =	wrdreg s24  }
0xb0: {  	[dreg:$0x4] =	wrdreg $0x9  }
0xb1: {  	_ =	task.clear_ibuf [dreg:s7], $0x5FFFF;
	_ =	strace $0x9000004C  }
0xb2: {  	s29 =	simm.s32 $0x9;
	_ =	strace $0x8000004E  }
0xb3: {  	_ =	swait.ge [sflag:s29], $0x1  }
0xb4: {  	[sflag:s29] =	ssyncadd.s32 $0xFFFFFFFF  }
0xb5: {  	_ =	strace $0x9000004E  }
0xb6: {  	_ =	sfence  }
0xb7: {  	s30 =	sld [smem:$0x0];
	_ =	sdelay $0x2  }
0xb8: {  	s31 =	sshll.u32 s1, $0xD;
	s1 =	sshrl.u32 s1, $0x2  }
0xb9: {  	s3 =	sand.u32 $0x4000, s31;
	s1 =	sadd.s32 s1, s30  }
0xba: {  	s0 =	sor.u32 s3, s0;
	s1 =	sshll.u32 s1, $0x11  }
0xbb: {  	s0 =	sor.u32 s1, s0  }
0xbc: {  	s0 =	sadd.s32 $0x8F2B, s0  }
0xbd: {  	[sflag:s0] =	ssyncadd.remote.s32 $0x1  }
0xbe: {  	_ =	sfence.sel $0xFFFF  }
0xbf: {  	[dreg:$0x0] =	wrdreg $0xFFFFFFFF;
	(pc) =	sbr.abs _section_cstart, $3  }
0xc0: {  	[dreg:$0x1] =	wrdreg $0xFFFFFFFF  }
0xc1: {  	_ =	task.clear_ibuf [dreg:s7], $0x2FFFF;
	_ =	strace $0x9FFFFFFF  }
0xc2: {  	(tm) =	ssettm $0x7FFFFFFF  }
0xc3: {  	_ =	shalt  }
tec
execute0_lowered:
.L_overlay_start_1:
0x0: {  	(tag) =	ssettag $0x1  }
0x1: {  	s1 =	srdreg.scid;
	s2 =	rddreg [dreg:$0x0]  }
0x2: {  	s0 =	stileid.u32;
	s3 =	rddreg [dreg:$0x1]  }
0x3: {  	s6 =	simm.s32 $0x1;
	s9 =	simm.s32 $0x1;
	s1 =	sshll.u32 s1, $0xE  }
0x4: {  	s10 =	simm.s32 $0x3;
	s4 =	sshll.u32 s0, $0xF;
	s5 =	sand.u32 $0x4000, s1  }
0x5: {  	s13 =	simm.s32 $0x0;
	s12 =	simm.s32 $0x0;
	s4 =	sor.u32 s4, s5  }
0x6: {  	s1 =	rddreg [dreg:$0x2];
	_ =	strace $0x8000004D;
	s8 =	ssub.s32 $0xC0000, s4  }
.Ltmp0:
0x7: {  	s5 =	sadd.s32 $0x30000, s3;
	s7 =	sand.u32 $0x7C000, s8;
	(pc) =	sbr.rel .LBB2_1-.Ltmp0, $4  }
0x8: {  	[sflag:s6] =	ssyncpa.u1 $0x0;
	s11 =	smov.u32 s4;
	p0 =	sne.s32 s7, $0x0  }
0x9: {  	s8 =	sshrl.u32 s8, $0x13;
	s7 =	simm.s32 $0x2;
	s9 =	simm.s32 @!p0 $0x0  }
0xa: {  	[sflag:s7] =	ssyncpa.u1 $0x0;
	p0 =	por $0x0, $0x0;
	s8 =	sadd.s32 s9, s8  }
0xb: {  	vm0 =	vmmov $0xffff;
	[sflag:s10] =	ssyncpa.u1 $0x0;
	s10 =	simm.s32 $0x0;
	s9 =	sadd.s32 $0x1, s8  }
.LBB2_4:
0xc: {  	v6 =	vand.u32 $0x7F, v4;
	v3 =	vsel vm1, $0xFFCE8000, v3  }
0xd: {  	v5 =	vmul.u32 $0x8400, v5;
	vm1 =	vmmov vm2;
	v56 =	vshll.u32 v4, $0x3  }
0xe: {  	v7 =	vand.u32 $0x3, v1;
	v2 =	vshll.u32 v2, $0x7;
	v57 =	vshrl.u32 v1, $0x2  }
0xf: {  	v58 =	vshrl.u32 v1, $0xC;
	v3 =	vor.u32 v3, v6;
	v4 =	vand.u32 $0xFFFFFC00, v56  }
0x10: {  	v2 =	vand.u32 $0x380, v2;
	v3 =	vadd.s32 v5, v3;
	v5 =	vand.u32 $0x3FF, v57  }
0x11: {  	v1 =	vand.u32 $0x1FFF, v58;
	v59 =	vmul.u32 $0x318000, v7;
	v5 =	vsel vm1, $0xFFFFFFFF, v5  }
0x12: {  	v1 =	vsel vm1, $0xFFFFFFFF, v1;
	v3 =	vadd.s32 v4, v3;
	v60 =	vshrl.u32 v5, $0x3  }
0x13: {  	v61 =	vand.u32 $0x7F, v1;
	v6 =	vsel vm1, $0xFFCE8000, v59;
	v4 =	vmul.u32 $0x8400, v60  }
0x14: {  	v1 =	vshll.u32 v1, $0x3;
	v2 =	vor.u32 v2, v3;
	v62 =	vor.u32 v6, v61  }
0x15: {  	v1 =	vand.u32 $0xFFFFFC00, v1;
	v5 =	vshll.u32 v5, $0x7;
	v3 =	vadd.s32 v4, v62  }
0x16: {  	v63 =	vand.u32 $0x380, v5;
	v1 =	vadd.s32 v1, v3  }
0x17: {  	(ifvalue) =	ssetifvalue $0x7FFFFFFF;
	s15 =	sadd.s32 $0x10, s15;
	v1 =	vor.u32 v63, v1  }
0x18: {  	[tilespmem:s15], [sflag:$0x1] =	stream.indirect_vreg.gather [hbm4b:s2+s10], $0x1, v0, vm0, $0x4038;
	[tilespmem:$0x10000] =	vst v63  }
0x19: {  	(ifvalue) =	ssetifvalue $0x7FFFFFFF;
	s15 =	sadd.s32 $0x10, s15  }
0x1a: {  	[tilespmem:s15], [sflag:$0x1] =	stream.indirect_vreg.gather [hbm4b:s2+s10], $0x1, v2, vm0, $0x4038;
	[tilespmem:$0x10000] =	vst v63  }
0x1b: {  	(ifvalue) =	ssetifvalue $0x7FFFFFFF;
	s15 =	sadd.s32 $0x10, s15  }
0x1c: {  	[tilespmem:s15], [sflag:$0x1] =	stream.indirect_vreg.gather [hbm4b:s2+s10], $0x1, v1, vm0, $0x4038;
	[tilespmem:$0x10000] =	vst v63  }
0x1d: {  	_ =	swait.ge [sflag:s6], $0x4000  }
0x1e: {  	s30 =	sshrl.u32 s13, $0x3;
	[sflag:s6] =	ssyncset.done $0x0  }
0x1f: {  	s31 =	sand.u32 $0x7, s13;
	s15 =	sadd.s32 s5, s30;
	[sflag:s6] =	ssyncadd.s32 $0xFFFFC000  }
0x20: {  	[hbm4b:s15+s31] =	stream.linear.scatter [tilespmem:s14], [sflag:$0x3], $0x4000, $0x38;
	[tilespmem:$0x10000] =	vst v63  }
.LBB2_5:
0x21: {  	s15 =	sadd.s32 $0x80000, s11  }
0x22: {  	p2 =	sgt.s32 s15, $0xBFFFF  }
0x23: {  	s15 =	smov.u32 @p2 s4;
	p2 =	sne.s32 s12, s9  }
.Ltmp1:
0x24: {  	p1 =	slt.u32 s12, $0x2;
	(pc) =	sbr.rel @!p2 .LBB2_6-.Ltmp1, $4  }
0x25: {  	s14 =	simm.s32 @!p1 $0x3  }
0x26: {  	s16 =	sadd.s32 $0x1, s12;
	_ =	swait.ge @!p1 [sflag:s14], $0x4000  }
0x27: {  	s13 =	smov.u32 s11;
	p0 =	por !p0, !p0;
	[sflag:s14] =	ssyncset.done @!p1 $0x0  }
0x28: {  	s12 =	smov.u32 s16;
	s11 =	smov.u32 s15;
	[sflag:s14] =	ssyncadd.s32 @!p1 $0xFFFFC000  }
.LBB2_1:
0x29: {  	p1 =	sge.u32 s12, s8  }
0x2a: {  	s14 =	sxor.u32 @!p1 $0xFFFFFFFF, s12  }
0x2b: {  	s31 =	sadd.s32 $0xFFFFFFFF, s12;
	s15 =	sshrl.u32 @!p1 s11, $0x3;
	s14 =	sshll.u32 @!p1 s14, $0xE  }
0x2c: {  	s16 =	sand.u32 @!p1 $0x7, s11;
	s15 =	sadd.s32 @!p1 s3, s15;
	s14 =	sand.u32 @!p1 $0x4000, s14  }
0x2d: {  	[tilespmem:s14], [sflag:$0x2] =	stream.linear.gather @!p1 [hbm4b:s15+s16], $0x4000, $0x38;
	[tilespmem:$0x10000] =	vst v63  }
0x2e: {  	p1 =	sge.u32 s31, s8  }
.Ltmp2:
0x2f: {  	_ = 	snop;
	(pc) =	sbr.rel @p1 .LBB2_5-.Ltmp2, $1  }
0x30: {  	_ =	sdelay $0x3  }
0x31: {  	s14 =	simm.s32 $0x1  }
0x32: {  	_ =	swait.ge [sflag:s7], $0x4000;
	s14 =	simm.s32 @!p0 $0x0  }
0x33: {  	[sflag:s7] =	ssyncset.done $0x0;
	s14 =	sshll.u32 s14, $0xE  }
0x34: {  	[sflag:s7] =	ssyncadd.s32 $0xFFFFC000;
	(ifvalue) =	ssetifvalue $0x7FFFFFFF;
	v0 =	vld.msk [tilespmem:s14+$0x0 ss:$0x1], $0xffff;
	_ =	sdelay $0x1  }
0x35: {  	s15 =	sadd.s32 $0x10, s14  }
0x36: {  	v1 =	vld.msk [tilespmem:s15+$0x0 ss:$0x1], $0xffff;
	s15 =	sadd.s32 $0x10, s15  }
0x37: {  	v6 =	vld.msk [tilespmem:s15+$0x0 ss:$0x1], $0xffff  }
0x38: {  	vm1 =	veq.s32 v0, $0x80000000;
	v2 =	vand.u32 $0x3, v0  }
0x39: {  	v3 =	vshrl.u32 v0, $0x2;
	v0 =	vshrl.u32 v0, $0xC;
	vm1 =	vmmov vm1  }
0x3a: {  	v3 =	vand.u32 $0x3FF, v3;
	v0 =	vand.u32 $0x1FFF, v0;
	v2 =	vmul.u32 $0x318000, v2  }
0x3b: {  	vm2 =	veq.s32 v1, $0x80000000;
	v7 =	vand.u32 $0x3, v1;
	v3 =	vsel vm1, $0xFFFFFFFF, v3  }
0x3c: {  	v0 =	vsel vm1, $0xFFFFFFFF, v0;
	v8 =	vand.u32 $0x3, v6;
	v4 =	vshrl.u32 v3, $0x3  }
0x3d: {  	v5 =	vand.u32 $0x7F, v0;
	v2 =	vsel vm1, $0xFFCE8000, v2;
	vm1 =	vmmov vm2  }
0x3e: {  	v0 =	vshll.u32 v0, $0x3;
	v3 =	vshll.u32 v3, $0x7;
	v4 =	vmul.u32 $0x8400, v4  }
0x3f: {  	v2 =	vor.u32 v2, v5;
	v0 =	vand.u32 $0xFFFFFC00, v0;
	v3 =	vand.u32 $0x380, v3  }
0x40: {  	v2 =	vadd.s32 v4, v2;
	v4 =	vshrl.u32 v1, $0x2;
	v1 =	vshrl.u32 v1, $0xC  }
0x41: {  	v0 =	vadd.s32 v0, v2;
	v2 =	vand.u32 $0x3FF, v4;
	v1 =	vand.u32 $0x1FFF, v1  }
0x42: {  	v0 =	vor.u32 v3, v0;
	v2 =	vsel vm1, $0xFFFFFFFF, v2;
	v3 =	vmul.u32 $0x318000, v7  }
0x43: {  	vm2 =	veq.s32 v6, $0x80000000;
	v4 =	vsel vm1, $0xFFFFFFFF, v1;
	v1 =	vshrl.u32 v2, $0x3  }
0x44: {  	s17 =	sadd.s32 $0x10, s15;
	v5 =	vand.u32 $0x7F, v4;
	v3 =	vsel vm1, $0xFFCE8000, v3;
	v7 =	vmul.u32 $0x8400, v1  }
0x45: {  	v4 =	vshll.u32 v4, $0x3;
	v2 =	vshll.u32 v2, $0x7;
	v1 =	vld.msk [tilespmem:s17+$0x0 ss:$0x1], $0xffff;
	v3 =	vor.u32 v3, v5  }
0x46: {  	vm1 =	vmmov vm2;
	v4 =	vand.u32 $0xFFFFFC00, v4;
	v3 =	vadd.s32 v7, v3  }
0x47: {  	s31 =	sshll.u32 s12, $0xE;
	s15 =	sor.u32 $0x8000, s14;
	(ifvalue) =	ssetifvalue $0x7FFFFFFF;
	v2 =	vand.u32 $0x380, v2;
	v5 =	vshrl.u32 v6, $0x2;
	v3 =	vadd.s32 v4, v3  }
0x48: {  	[tilespmem:s15], [sflag:$0x1] =	stream.indirect_vreg.gather [hbm4b:s2+s10], $0x1, v0, vm0, $0x4038;
	v4 =	vand.u32 $0x3FF, v5;
	v5 =	vshrl.u32 v6, $0xC;
	v0 =	vor.u32 v2, v3;
	[tilespmem:$0x10000] =	vst v63  }
0x49: {  	s14 =	sand.u32 $0x4000, s31;
	v2 =	vsel vm1, $0xFFFFFFFF, v4;
	v4 =	vand.u32 $0x1FFF, v5;
	v3 =	vmul.u32 $0x318000, v8  }
0x4a: {  	s16 =	simm.s32 $0x30;
	s14 =	sor.u32 $0x8000, s14;
	s17 =	sadd.s32 $0x10, s17;
	vm2 =	veq.s32 v1, $0x80000000;
	v4 =	vsel vm1, $0xFFFFFFFF, v4;
	v5 =	vshrl.u32 v2, $0x3  }
.LBB2_3:
0x4b: {  	v7 =	vand.u32 $0x7F, v4  }
0x4c: {  	v6 =	vld.msk [tilespmem:s17+$0x0 ss:$0x1], $0xffff;
	v3 =	vsel vm1, $0xFFCE8000, v3;
	v5 =	vmul.u32 $0x8400, v5;
	vm1 =	vmmov vm2;
	s16 =	sadd.s32 $0x10, s16  }
0x4d: {  	v8 =	vand.u32 $0x3, v1;
	v4 =	vshll.u32 v4, $0x3;
	s15 =	sadd.s32 $0x10, s15;
	v3 =	vor.u32 v3, v7;
	(ifvalue) =	ssetifvalue $0x7FFFFFFF;
	p1 =	slt.u32 s16, $0x3FF0  }
0x4e: {  	[tilespmem:s15], [sflag:$0x1] =	stream.indirect_vreg.gather [hbm4b:s2+s10], $0x1, v0, vm0, $0x4038;
	[tilespmem:$0x10000] =	vst v63  }
.Ltmp3:
0x4f: {  	v2 =	vshll.u32 v2, $0x7;
	v4 =	vand.u32 $0xFFFFFC00, v4;
	v3 =	vadd.s32 v5, v3;
	(pc) =	sbr.rel @p1 .LBB2_3-.Ltmp3, $4  }
0x50: {  	v2 =	vand.u32 $0x380, v2;
	v0 =	vshrl.u32 v1, $0x2;
	v3 =	vadd.s32 v4, v3  }
0x51: {  	v9 =	vshrl.u32 v1, $0xC;
	v4 =	vand.u32 $0x3FF, v0;
	v0 =	vor.u32 v2, v3  }
0x52: {  	v7 =	vand.u32 $0x1FFF, v9;
	v2 =	vsel vm1, $0xFFFFFFFF, v4;
	v3 =	vmul.u32 $0x318000, v8  }
0x53: {  	s17 =	sadd.s32 $0x10, s17;
	v4 =	vsel vm1, $0xFFFFFFFF, v7;
	vm2 =	veq.s32 v6, $0x80000000;
	v5 =	vshrl.u32 v2, $0x3;
	v1 =	vmovc v6  }
.Ltmp4:
0x54: {  	_ = 	snop;
	(pc) =	sbr.rel .LBB2_4-.Ltmp4, $1  }
0x55: {  	_ =	sdelay $0x3  }
.LBB2_6:
0x56: {  	_ =	sfence.sel $0x180000  }
0x57: {  	s2 =	simm.s32 $0x2;
	[bflag:$0x0] =	sbarrier.arrive $0xFFFF  }
0x58: {  	s30 =	simm.s32 $0x3;
	[sflag:s2] =	ssyncpa.u1 $0x1  }
0x59: {  	s31 =	simm.s32 $0x1;
	[sflag:s30] =	ssyncpa.u1 $0x1  }
0x5a: {  	[sflag:s31] =	ssyncpa.u1 $0x1  }
0x5b: {  	p0 =	sne.s32 s0, $0x0;
	_ =	strace $0x9000004D  }
0x5c: {  	s0 =	sadd.s32 @!p0 $0x100000, s1;
	[bflag:$0x2] =	sbarrier.arrive $0xFFFF  }
0x5d: {  	[sflag:s0] =	ssyncadd.tile.s32 @!p0 $0x1;
	_ =	shalt  }
.Lfunc_end2:
_tile_overlayer_lowered:
.L_overlay_start_2:
0x5e: {  	(tag) =	ssettag $0x2  }
0x5f: {  	s0 =	rddreg [dreg:$0x0];
	s2 =	stileid.u32  }
0x60: {  	s1 =	rddreg [dreg:$0x1];
	p0 =	sne.s32 s2, $0x0  }
0x61: {  	s3 =	rddreg [dreg:$0x2];
	[bflag:$0x3] =	sbarrier.arrive $0xFFFF;
	s2 =	simm.s32 @!p0 $0x1C01  }
0x62: {  	[timem:s3], [sflag:s2] =	dma.local @!p0 [hbm:s0], s1  }
0x63: {  	s0 =	simm.s32 @!p0 $0x1  }
0x64: {  	_ =	swait.ge @!p0 [sflag:s0], s1  }
0x65: {  	s1 =	ssub.s32 @!p0 $0x0, s1;
	[sflag:s0] =	ssyncset.done @!p0 $0x0  }
0x66: {  	[sflag:s0] =	ssyncadd.s32 @!p0 s1  }
0x67: {  	[bflag:$0x3] =	sbarrier.arrive $0xFFFF  }
0x68: {  	_ =	shalt  }

// kernel: sparse-core-data-format-call.1.cloned.1.call-start
scs
called_computation.1_lowered:
.L_overlay_start_0:
0x0: {  	s1 =	sld [smem:$0x3FD9]  }
0x1: {  	s2 =	sld [smem:$0x3FFE];
	_ =	sdelay $0x1  }
0x2: {  	s3 =	srdreg.scid  }
0x3: {  	s0 =	sand.u32 $0x1, s3  }
0x4: {  	s17 =	sshll.u32 s0, $0xA;
	s1 =	sadd.s32 s2, s1  }
0x5: {  	s1 =	sadd.s32 s1, s17  }
0x6: {  	[smem:$0x3FC5] =	sst s1  }
0x7: {  	_ = 	snop  }
0x8: {  	(tm) =	ssettm $0x1  }
0x9: {  	s18 =	sld [smem:$0x3FFB];
	_ =	sdelay $0x3  }
0xa: {  	_ =	strace s18  }
0xb: {  	s1 =	sld [smem:$0x3FFC];
	_ =	sdelay $0x3  }
0xc: {  	_ =	strace s1  }
0xd: {  	s1 =	sld [smem:$0x3FFD];
	_ =	sdelay $0x3  }
0xe: {  	_ =	strace s1  }
0xf: {  	_ =	strace $0x8FFFFFFF  }
0x10: {  	s19 =	sld [smem:$0x3FDB];
	_ =	sdelay $0x1  }
0x11: {  	s20 =	simm.s32 $_scs_section_size  }
0x12: {  	s4 =	simm.s32 $_size__tile_overlayer_lowered;
	s5 =	simm.s32 $_tile_overlayer_lowered  }
0x13: {  	s23 =	simm.s32 $0x1BFF;
	s22 =	sshll.u32 s5, $0x1;
	s1 =	sadd.s32 s20, s19  }
0x14: {  	s6 =	simm.s32 $0x0;
	s21 =	sshll.u32 s4, $0x1;
	s4 =	sadd.s32 s22, s1  }
0x15: {  	[timem:s6], [sflag:s23] =	dma.local [hbm:s4], s21  }
0x16: {  	_ =	swait.ge [sflag:s23], s21  }
0x17: {  	s2 =	ssub.s32 $0x0, s21;
	[sflag:s23] =	ssyncset.done $0x0  }
0x18: {  	[sflag:s23] =	ssyncadd.s32 s2;
	_ =	sdelay $0x1  }
0x19: {  	s24 =	simm.s32 $0x1B8B  }
0x1a: {  	_ =	swait.ge [sflag:s24], $0x1  }
0x1b: {  	[sflag:s24] =	ssyncset.done $0x0  }
0x1c: {  	s26 =	simm.s32 $0x1B8E;
	s25 =	sld [smem:$0x3FFE];
	[sflag:s24] =	ssyncadd.s32 $0xFFFFFFFF  }
0x1d: {  	s27 =	simm.s32 $execute0_lowered;
	[smem:$0x3FD2] =	sst s26  }
0x1e: {  	s4 =	sshll.u32 s27, $0x1;
	_ =	strace $0x8000004F;
	[dreg:$0x1] =	wrdreg $0xFFFFFFFF  }
0x1f: {  	s28 =	simm.s32 $_size_execute0_lowered;
	s1 =	sadd.s32 s1, s4;
	[dreg:$0x0] =	wrdreg $0x0  }
0x20: {  	s4 =	sshll.u32 s28, $0x1;
	[dreg:$0x2] =	wrdreg s1  }
0x21: {  	[dreg:$0x3] =	wrdreg s4  }
0x22: {  	[dreg:$0x4] =	wrdreg $0xC0  }
0x23: {  	_ =	task [dreg:s6], $0x5FFFF  }
0x24: {  	[dreg:$0x1] =	wrdreg $0xFFFFFFFF  }
0x25: {  	[dreg:$0x0] =	wrdreg $0x60  }
0x26: {  	[dreg:$0x2] =	wrdreg s25  }
0x27: {  	[dreg:$0x3] =	wrdreg $0x9  }
0x28: {  	_ =	task.clear_ibuf [dreg:s6], $0x4FFFF;
	_ =	strace $0x9000004F  }
0x29: {  	s29 =	simm.s32 $0x9;
	_ =	strace $0x80000051  }
0x2a: {  	_ =	swait.ge [sflag:s29], $0x1  }
0x2b: {  	[sflag:s29] =	ssyncadd.s32 $0xFFFFFFFF  }
0x2c: {  	_ =	strace $0x90000051  }
0x2d: {  	_ =	sfence  }
0x2e: {  	s30 =	sld [smem:$0x0];
	_ =	sdelay $0x2  }
0x2f: {  	s31 =	sshll.u32 s3, $0xD;
	s3 =	sshrl.u32 s3, $0x2  }
0x30: {  	s2 =	sand.u32 $0x4000, s31;
	s1 =	sadd.s32 s3, s30  }
0x31: {  	s0 =	sor.u32 s2, s0;
	s1 =	sshll.u32 s1, $0x11  }
0x32: {  	s0 =	sor.u32 s1, s0  }
0x33: {  	s0 =	sadd.s32 $0x8F2B, s0  }
0x34: {  	[sflag:s0] =	ssyncadd.remote.s32 $0x1  }
0x35: {  	_ =	sfence.sel $0xFFFF  }
0x36: {  	[dreg:$0x0] =	wrdreg $0xFFFFFFFF;
	(pc) =	sbr.abs _section_cstart, $3  }
0x37: {  	[dreg:$0x1] =	wrdreg $0xFFFFFFFF  }
0x38: {  	_ =	task.clear_ibuf [dreg:s6], $0x2FFFF;
	_ =	strace $0x9FFFFFFF  }
0x39: {  	(tm) =	ssettm $0x7FFFFFFF  }
tec
execute0_lowered:
.L_overlay_start_1:
0x0: {  	(tag) =	ssettag $0x1  }
0x1: {  	s0 =	srdreg.scid  }
0x2: {  	s1 =	sshll.u32 s0, $0x4  }
0x3: {  	s0 =	stileid.u32;
	s1 =	sand.u32 $0x10, s1  }
0x4: {  	s3 =	rddreg [dreg:$0x0];
	s1 =	sor.u32 s0, s1  }
0x5: {  	s5 =	simm.s32 $0x1;
	s7 =	simm.s32 $0x2;
	s2 =	sshll.u32 s1, $0x7  }
0x6: {  	s15 =	simm.s32 $0x0;
	s8 =	simm.s32 $0x1800;
	s4 =	ssub.s32 $0x2000, s2  }
0x7: {  	s9 =	simm.s32 $0x0;
	s14 =	simm.s32 $0x0;
	s31 =	sand.u32 $0xF80, s4  }
0x8: {  	s16 =	simm.s32 $0x0;
	s10 =	simm.s32 $0x0;
	p0 =	sne.s32 s31, $0x0  }
.Ltmp0:
0x9: {  	s6 =	sshrl.u32 s4, $0xC;
	s5 =	simm.s32 @!p0 $0x0;
	(pc) =	sbr.rel .LBB1_1-.Ltmp0, $4  }
0xa: {  	s11 =	simm.s32 $0x0;
	s1 =	rddreg [dreg:$0x1];
	s5 =	sadd.s32 s5, s6  }
0xb: {  	_ =	strace $0x80000050;
	s4 =	simm.s32 $0x1;
	s5 =	smul.u32 $0x18, s5  }
0xc: {  	s13 =	simm.s32 $0x0;
	s12 =	smov.u32 s2;
	[sflag:s4] =	ssyncpa.u1 $0x0  }
0xd: {  	[sflag:s7] =	ssyncpa.u1 $0x0;
	s6 =	sadd.s32 $0x330400, s3;
	s7 =	sor.u32 $0x1, s5  }
.LBB1_4:
0xe: {  	_ =	sdelay $0x2  }
0xf: {  	s20 =	sshrl.u32 s16, $0x3  }
0x10: {  	[tilespmem:v0+s19+$0xFFFFFFD0 ss:$0x1] =	vst.idx.msk $0xffff, v7;
	s21 =	sshll.u32 s15, $0x3;
	s20 =	smul.u32 $0x1800, s20  }
0x11: {  	v56 =	vld.idx.msk [tilespmem:v1+s18+$0x0 ss:$0x1], $0xffff;
	[tilespmem:v0+s19+$0xFFFFFFE0 ss:$0x1] =	vst.idx.msk $0xffff, v5;
	s27 =	sshll.u32 s16, $0x7;
	s21 =	sand.u32 $0xFFFFFC00, s21  }
0x12: {  	v57 =	vld.idx.msk [tilespmem:v1+s18+$0xFFFFFF90 ss:$0x1], $0xffff;
	[tilespmem:v0+s19+$0xFFFFFFF0 ss:$0x1] =	vst.idx.msk $0xffff, v4;
	s16 =	sand.u32 $0x380, s27;
	s20 =	sadd.s32 s20, s21  }
0x13: {  	v58 =	vld.idx.msk [tilespmem:v1+s18+$0xFFFFFFA0 ss:$0x1], $0xffff;
	[tilespmem:v0+s19+$0x0 ss:$0x1] =	vst.idx.msk $0xffff, v2;
	s28 =	sand.u32 $0x7F, s15;
	s16 =	sor.u32 s16, s20  }
0x14: {  	v59 =	vld.idx.msk [tilespmem:v1+s18+$0xFFFFFFB0 ss:$0x1], $0xffff;
	[tilespmem:v0+s19+$0x10 ss:$0x1] =	vst.idx.msk $0xffff, v3;
	s15 =	sor.u32 s28, s16  }
0x15: {  	v60 =	vld.idx.msk [tilespmem:v1+s18+$0xFFFFFFC0 ss:$0x1], $0xffff;
	[tilespmem:v0+s19+$0x20 ss:$0x1] =	vst.idx.msk $0xffff, v6;
	s29 =	smulhi.u32 $0xAAAAAAAB, s15  }
0x16: {  	v61 =	vld.idx.msk [tilespmem:v1+s18+$0xFFFFFFD0 ss:$0x1], $0xffff;
	[tilespmem:v0+s18+$0x30 ss:$0x1] =	vst.idx.msk $0xffff, v56;
	s16 =	smulhi.u32 $0xAAAAAAAB, s16  }
0x17: {  	v62 =	vld.idx.msk [tilespmem:v1+s18+$0xFFFFFFE0 ss:$0x1], $0xffff;
	[tilespmem:v0+s18+$0xFFFFFFC0 ss:$0x1] =	vst.idx.msk $0xffff, v57;
	s19 =	sshrl.u32 s29, $0x9  }
0x18: {  	v63 =	vld.idx.msk [tilespmem:v1+s18+$0xFFFFFFF0 ss:$0x1], $0xffff;
	[tilespmem:v0+s18+$0xFFFFFFD0 ss:$0x1] =	vst.idx.msk $0xffff, v58;
	s16 =	sshrl.u32 s16, $0x9;
	s19 =	smul.u32 $0x300, s19  }
0x19: {  	s14 =	smul.u32 $0xC0000, s14;
	[tilespmem:v0+s18+$0xFFFFFFE0 ss:$0x1] =	vst.idx.msk $0xffff, v59;
	s16 =	sand.u32 $0x1FFF, s16  }
0x1a: {  	[tilespmem:v0+s18+$0xFFFFFFF0 ss:$0x1] =	vst.idx.msk $0xffff, v60;
	s16 =	smul.u32 $0x60, s16;
	s15 =	ssub.s32 s15, s19  }
0x1b: {  	s14 =	sadd.s32 s3, s14;
	[tilespmem:v0+s18+$0x0 ss:$0x1] =	vst.idx.msk $0xffff, v61;
	s19 =	sand.u32 $0x7, s15  }
0x1c: {  	[tilespmem:v0+s18+$0x10 ss:$0x1] =	vst.idx.msk $0xffff, v62;
	s14 =	sadd.s32 s16, s14;
	s15 =	sshrl.u32 s15, $0x3;
	s30 =	sshll.u32 s19, $0x12  }
0x1d: {  	[tilespmem:v0+s18+$0x20 ss:$0x1] =	vst.idx.msk $0xffff, v63;
	s14 =	sadd.s32 s15, s14;
	s31 =	sor.u32 $0x400, s30  }
0x1e: {  	[hbm4b:s14+s31] =	stream.strided.scatter [tilespmem:s17], [sflag:$0x2], $0x4000, s8, s31, $0x38;
	[tilespmem:$0x10000] =	vst v63  }
.LBB1_5:
0x1f: {  	s17 =	sadd.s32 $0x80, s10  }
0x20: {  	s14 =	simm.s32 $0x1;
	p1 =	sgt.s32 s17, $0x2FF  }
0x21: {  	s14 =	simm.s32 @!p1 $0x0  }
0x22: {  	s18 =	sadd.s32 s14, s11  }
0x23: {  	s20 =	smov.u32 s12;
	s14 =	sadd.s32 $0x1000, s12;
	p2 =	sgt.s32 s18, $0x3  }
0x24: {  	s20 =	smov.u32 @p2 s14  }
0x25: {  	s17 =	simm.s32 @p1 $0x0;
	p1 =	sgt.s32 s20, $0x1FFF  }
0x26: {  	p0 =	slt.u32 s13, $0x2;
	s20 =	smov.u32 @p1 s2;
	p1 =	sne.s32 s13, s7  }
.Ltmp1:
0x27: {  	s19 =	simm.s32 @!p0 $0x2;
	(pc) =	sbr.rel @!p1 .LBB1_6-.Ltmp1, $4  }
0x28: {  	s15 =	smov.u32 s10;
	s16 =	smov.u32 s12;
	_ =	swait.ge @!p0 [sflag:s19], $0x4000  }
0x29: {  	s9 =	sadd.s32 $0x4000, s9;
	[sflag:s19] =	ssyncset.done @!p0 $0x0;
	s10 =	smov.u32 s17  }
0x2a: {  	[sflag:s19] =	ssyncadd.s32 @!p0 $0xFFFFC000;
	s18 =	simm.s32 @p2 $0x0;
	s14 =	smov.u32 s11  }
0x2b: {  	s11 =	smov.u32 s18;
	s13 =	sadd.s32 $0x1, s13;
	s12 =	smov.u32 s20  }
.LBB1_1:
0x2c: {  	p0 =	sge.u32 s13, s5  }
0x2d: {  	s17 =	sshrl.u32 @!p0 s11, $0x2  }
0x2e: {  	s18 =	sshll.u32 @!p0 s10, $0x2;
	s17 =	smul.u32 @!p0 $0xC00, s17  }
0x2f: {  	s19 =	sshll.u32 @!p0 s11, $0x7;
	s18 =	sand.u32 @!p0 $0xFFFFFE00, s18  }
0x30: {  	s17 =	sadd.s32 @!p0 s17, s18;
	s18 =	sand.u32 @!p0 $0x180, s19  }
0x31: {  	s19 =	sand.u32 @!p0 $0x7F, s10;
	s17 =	sor.u32 @!p0 s18, s17  }
0x32: {  	s18 =	sor.u32 @!p0 s19, s17  }
0x33: {  	s19 =	smulhi.u32 @!p0 $0xAAAAAAAB, s18  }
0x34: {  	s17 =	smulhi.u32 @!p0 $0xAAAAAAAB, s17  }
0x35: {  	s19 =	sshrl.u32 @!p0 s19, $0x9  }
0x36: {  	s31 =	sadd.s32 $0xFFFFFFFF, s13;
	s17 =	sshrl.u32 @!p0 s17, $0x9;
	s19 =	smul.u32 @!p0 $0x300, s19  }
0x37: {  	s20 =	sxor.u32 @!p0 $0xFFFFFFFF, s13;
	s21 =	smul.u32 @!p0 $0x180, s12;
	s17 =	sand.u32 @!p0 $0x3, s17  }
0x38: {  	s20 =	sshll.u32 @!p0 s20, $0xE;
	s17 =	smul.u32 @!p0 $0x60, s17;
	s18 =	ssub.s32 @!p0 s18, s19  }
0x39: {  	s19 =	sand.u32 @!p0 $0x4000, s20;
	s20 =	sadd.s32 @!p0 s6, s21;
	s21 =	sand.u32 @!p0 $0x7, s18  }
0x3a: {  	s18 =	sshrl.u32 @!p0 s18, $0x3;
	s17 =	sadd.s32 @!p0 s17, s20;
	s20 =	sshll.u32 @!p0 s21, $0x12  }
0x3b: {  	s17 =	sadd.s32 @!p0 s18, s17;
	s18 =	sor.u32 @!p0 $0x80, s20;
	s20 =	simm.s32 @!p0 $0xC00  }
0x3c: {  	[tilespmem:s19], [sflag:$0x1] =	stream.strided.gather @!p0 [hbm4b:s17+s18], $0x4000, s20, s18, $0x38;
	[tilespmem:$0x10000] =	vst v63  }
0x3d: {  	p0 =	sge.u32 s31, s5  }
.Ltmp2:
0x3e: {  	_ = 	snop;
	(pc) =	sbr.rel @p0 .LBB1_5-.Ltmp2, $1  }
0x3f: {  	_ =	sdelay $0x3  }
0x40: {  	s17 =	sand.u32 $0x4000, s9  }
0x41: {  	s18 =	sor.u32 $0x70, s17  }
0x42: {  	v1 =	vmov s18;
	_ =	sdelay $0x1  }
0x43: {  	_ =	swait.ge [sflag:s4], $0x4000  }
0x44: {  	[sflag:s4] =	ssyncset.done $0x0  }
0x45: {  	s19 =	simm.s32 $0x0;
	[sflag:s4] =	ssyncadd.s32 $0xFFFFC000  }
0x46: {  	s17 =	sor.u32 $0x8040, s17;
	v6 =	vld.idx.msk [tilespmem:v1+s19+$0x0 ss:$0x1], $0xffff  }
0x47: {  	v0 =	vmov s17;
	v8 =	vld.idx.msk [tilespmem:v1+s19+$0xFFFFFF90 ss:$0x1], $0xffff  }
0x48: {  	v7 =	vld.idx.msk [tilespmem:v1+s19+$0xFFFFFFA0 ss:$0x1], $0xffff  }
0x49: {  	v5 =	vld.idx.msk [tilespmem:v1+s19+$0xFFFFFFB0 ss:$0x1], $0xffff  }
0x4a: {  	v4 =	vld.idx.msk [tilespmem:v1+s19+$0xFFFFFFC0 ss:$0x1], $0xffff  }
0x4b: {  	s31 =	sshll.u32 s13, $0xE;
	v2 =	vld.idx.msk [tilespmem:v1+s19+$0xFFFFFFD0 ss:$0x1], $0xffff  }
0x4c: {  	s17 =	sand.u32 $0x4000, s31;
	v3 =	vld.idx.msk [tilespmem:v1+s19+$0xFFFFFFE0 ss:$0x1], $0xffff;
	[tilespmem:v0+s19+$0x30 ss:$0x1] =	vst.idx.msk $0xffff, v6  }
0x4d: {  	s20 =	simm.s32 $0x400;
	s18 =	simm.s32 $0x80;
	s17 =	sor.u32 $0x8000, s17;
	[tilespmem:v0+s19+$0xFFFFFFC0 ss:$0x1] =	vst.idx.msk $0xffff, v8;
	v6 =	vld.idx.msk [tilespmem:v1+s19+$0xFFFFFFF0 ss:$0x1], $0xffff  }
.LBB1_3:
0x4e: {  	p0 =	sne.s32 s20, $0xFE00;
	v8 =	vld.idx.msk [tilespmem:v1+s18+$0x0 ss:$0x1], $0xffff;
	[tilespmem:v0+s19+$0xFFFFFFD0 ss:$0x1] =	vst.idx.msk $0xffff, v7  }
0x4f: {  	v9 =	vld.idx.msk [tilespmem:v1+s18+$0xFFFFFF90 ss:$0x1], $0xffff;
	[tilespmem:v0+s19+$0xFFFFFFE0 ss:$0x1] =	vst.idx.msk $0xffff, v5  }
0x50: {  	v7 =	vld.idx.msk [tilespmem:v1+s18+$0xFFFFFFA0 ss:$0x1], $0xffff;
	[tilespmem:v0+s19+$0xFFFFFFF0 ss:$0x1] =	vst.idx.msk $0xffff, v4  }
.Ltmp3:
0x51: {  	v5 =	vld.idx.msk [tilespmem:v1+s18+$0xFFFFFFB0 ss:$0x1], $0xffff;
	[tilespmem:v0+s19+$0x0 ss:$0x1] =	vst.idx.msk $0xffff, v2;
	(pc) =	sbr.rel @p0 .LBB1_3-.Ltmp3, $4  }
0x52: {  	v4 =	vld.idx.msk [tilespmem:v1+s18+$0xFFFFFFC0 ss:$0x1], $0xffff;
	[tilespmem:v0+s19+$0x10 ss:$0x1] =	vst.idx.msk $0xffff, v3  }
0x53: {  	v2 =	vld.idx.msk [tilespmem:v1+s18+$0xFFFFFFD0 ss:$0x1], $0xffff;
	[tilespmem:v0+s19+$0x20 ss:$0x1] =	vst.idx.msk $0xffff, v6;
	s19 =	smov.u32 s18  }
0x54: {  	v3 =	vld.idx.msk [tilespmem:v1+s19+$0xFFFFFFE0 ss:$0x1], $0xffff;
	[tilespmem:v0+s19+$0x30 ss:$0x1] =	vst.idx.msk $0xffff, v8  }
0x55: {  	s18 =	sshra.s32 s20, $0x2;
	s20 =	sadd.s32 $0x200, s20;
	[tilespmem:v0+s19+$0xFFFFFFC0 ss:$0x1] =	vst.idx.msk $0xffff, v9;
	v6 =	vld.idx.msk [tilespmem:v1+s19+$0xFFFFFFF0 ss:$0x1], $0xffff  }
.Ltmp4:
0x56: {  	_ = 	snop;
	(pc) =	sbr.rel .LBB1_4-.Ltmp4, $1  }
0x57: {  	_ =	sdelay $0x3  }
.LBB1_6:
0x58: {  	_ =	sfence.sel $0x180000  }
0x59: {  	s2 =	simm.s32 $0x1;
	[bflag:$0x0] =	sbarrier.arrive $0xFFFF  }
0x5a: {  	s31 =	simm.s32 $0x2;
	[sflag:s2] =	ssyncpa.u1 $0x1  }
0x5b: {  	[sflag:s31] =	ssyncpa.u1 $0x1  }
0x5c: {  	p0 =	sne.s32 s0, $0x0;
	_ =	strace $0x90000050  }
0x5d: {  	s0 =	sadd.s32 @!p0 $0x100000, s1;
	[bflag:$0x2] =	sbarrier.arrive $0xFFFF  }
0x5e: {  	[sflag:s0] =	ssyncadd.tile.s32 @!p0 $0x1;
	_ =	shalt  }
.Lfunc_end1:
_tile_overlayer_lowered:
.L_overlay_start_2:
0x5f: {  	(tag) =	ssettag $0x2  }
0x60: {  	s0 =	rddreg [dreg:$0x0];
	s2 =	stileid.u32  }
0x61: {  	s1 =	rddreg [dreg:$0x1];
	p0 =	sne.s32 s2, $0x0  }
0x62: {  	s3 =	rddreg [dreg:$0x2];
	[bflag:$0x3] =	sbarrier.arrive $0xFFFF;
	s2 =	simm.s32 @!p0 $0x1C01  }
0x63: {  	[timem:s3], [sflag:s2] =	dma.local @!p0 [hbm:s0], s1  }
0x64: {  	s0 =	simm.s32 @!p0 $0x1  }
0x65: {  	_ =	swait.ge @!p0 [sflag:s0], s1  }
0x66: {  	s1 =	ssub.s32 @!p0 $0x0, s1;
	[sflag:s0] =	ssyncset.done @!p0 $0x0  }
0x67: {  	[sflag:s0] =	ssyncadd.s32 @!p0 s1  }
0x68: {  	[bflag:$0x3] =	sbarrier.arrive $0xFFFF  }
0x69: {  	_ =	shalt  }

// kernel: sparse-core-data-format-call.2.cloned.1.call-start
scs
called_computation.2_lowered:
.L_overlay_start_0:
0x0: {  	s2 =	sld [smem:$0x3FD9]  }
0x1: {  	s3 =	sld [smem:$0x3FFE];
	_ =	sdelay $0x1  }
0x2: {  	s1 =	srdreg.scid  }
0x3: {  	s0 =	sand.u32 $0x1, s1  }
0x4: {  	s18 =	sshll.u32 s0, $0xA;
	s2 =	sadd.s32 s3, s2  }
0x5: {  	s2 =	sadd.s32 s2, s18  }
0x6: {  	[smem:$0x3FC5] =	sst s2  }
0x7: {  	_ = 	snop  }
0x8: {  	s19 =	sld [smem:$0x3FD0];
	(tm) =	ssettm $0x1  }
0x9: {  	s20 =	sld [smem:$0x3FFB];
	_ =	sdelay $0x3  }
0xa: {  	_ =	strace s20  }
0xb: {  	s2 =	sld [smem:$0x3FFC];
	_ =	sdelay $0x3  }
0xc: {  	_ =	strace s2  }
0xd: {  	s2 =	sld [smem:$0x3FFD];
	_ =	sdelay $0x3  }
0xe: {  	_ =	strace s2  }
0xf: {  	_ =	strace $0x8FFFFFFF  }
0x10: {  	s21 =	sld [smem:$0x3FDB];
	_ =	sdelay $0x1  }
0x11: {  	s4 =	simm.s32 $_scs_section_size  }
0x12: {  	s5 =	simm.s32 $_size__tile_overlayer_lowered;
	s6 =	simm.s32 $_tile_overlayer_lowered  }
0x13: {  	s7 =	simm.s32 $0x1BFF;
	s22 =	sshll.u32 s6, $0x1;
	s4 =	sadd.s32 s4, s21  }
0x14: {  	s23 =	simm.s32 $0x0;
	s5 =	sshll.u32 s5, $0x1;
	s6 =	sadd.s32 s22, s4  }
0x15: {  	[timem:s23], [sflag:s7] =	dma.local [hbm:s6], s5  }
0x16: {  	_ =	swait.ge [sflag:s7], s5  }
0x17: {  	s5 =	ssub.s32 $0x0, s5;
	[sflag:s7] =	ssyncset.done $0x0  }
0x18: {  	[sflag:s7] =	ssyncadd.s32 s5;
	_ =	sdelay $0x1  }
0x19: {  	s24 =	simm.s32 $0x1B8B  }
0x1a: {  	_ =	swait.ge [sflag:s24], $0x1  }
0x1b: {  	[sflag:s24] =	ssyncset.done $0x0  }
0x1c: {  	[sflag:s24] =	ssyncadd.s32 $0xFFFFFFFF  }
0x1d: {  	s5 =	sld [smem:$0x0]  }
0x1e: {  	s6 =	sand.u32 $0xFFFFFFFE, s1  }
0x1f: {  	p0 =	sne.s32 s1, s6  }
0x20: {  	s6 =	sshll.u32 @p0 s6, $0xE  }
0x21: {  	s6 =	sadd.s32 @p0 $0x11B8D, s6;
	s7 =	sshll.u32 @p0 s5, $0x11  }
0x22: {  	s6 =	sor.u32 @p0 s7, s6  }
0x23: {  	[sflag:s6] =	ssyncadd.remote.s32 @p0 $0x1;
	_ =	sdelay $0x1  }
0x24: {  	s6 =	simm.s32 @p0 $0x1B8D  }
0x25: {  	_ =	swait.eq @p0 [sflag:s6], $0x1  }
0x26: {  	[sflag:s6] =	ssyncadd.s32 @p0 $0xFFFFFFFF  }
0x27: {  	s7 =	sshll.u32 @!p0 s1, $0xE  }
0x28: {  	s7 =	sor.u32 @!p0 $0x4000, s7;
	s6 =	simm.s32 @!p0 $0x1B8D  }
0x29: {  	s5 =	sshll.u32 @!p0 s5, $0x11;
	s7 =	sadd.s32 @!p0 $0x11B8D, s7;
	_ =	swait.eq @!p0 [sflag:s6], $0x1  }
0x2a: {  	s5 =	sor.u32 @!p0 s5, s7;
	[sflag:s6] =	ssyncadd.s32 @!p0 $0xFFFFFFFF  }
0x2b: {  	s26 =	simm.s32 $0x1B8E;
	s25 =	sld [smem:$0x3FFE];
	[sflag:s5] =	ssyncadd.remote.s32 @!p0 $0x1  }
0x2c: {  	s27 =	simm.s32 $execute0_lowered;
	[smem:$0x3FD2] =	sst s26  }
0x2d: {  	s6 =	sshll.u32 s27, $0x1;
	_ =	strace $0x80000052;
	[dreg:$0x1] =	wrdreg $0xFFFFFFFF  }
0x2e: {  	s28 =	simm.s32 $_size_execute0_lowered;
	s4 =	sadd.s32 s4, s6;
	[dreg:$0x0] =	wrdreg $0x0  }
0x2f: {  	s6 =	sshll.u32 s28, $0x1;
	[dreg:$0x2] =	wrdreg s4  }
0x30: {  	[dreg:$0x3] =	wrdreg s6  }
0x31: {  	[dreg:$0x4] =	wrdreg $0xC0  }
0x32: {  	_ =	task [dreg:s23], $0x5FFFF  }
0x33: {  	[dreg:$0x1] =	wrdreg $0xFFFFFFFF  }
0x34: {  	[dreg:$0x0] =	wrdreg $0x60  }
0x35: {  	[dreg:$0x2] =	wrdreg s19  }
0x36: {  	[dreg:$0x3] =	wrdreg s25  }
0x37: {  	[dreg:$0x4] =	wrdreg $0xA  }
0x38: {  	_ =	task.clear_ibuf [dreg:s23], $0x5FFFF;
	_ =	strace $0x90000052  }
0x39: {  	s29 =	simm.s32 $0xA;
	_ =	strace $0x80000054  }
0x3a: {  	_ =	swait.ge [sflag:s29], $0x1  }
0x3b: {  	[sflag:s29] =	ssyncadd.s32 $0xFFFFFFFF  }
0x3c: {  	_ =	strace $0x90000054  }
0x3d: {  	_ =	sfence  }
0x3e: {  	s30 =	sld [smem:$0x0];
	_ =	sdelay $0x2  }
0x3f: {  	s31 =	sshll.u32 s1, $0xD;
	s1 =	sshrl.u32 s1, $0x2  }
0x40: {  	s4 =	sand.u32 $0x4000, s31;
	s1 =	sadd.s32 s1, s30  }
0x41: {  	s0 =	sor.u32 s4, s0;
	s1 =	sshll.u32 s1, $0x11  }
0x42: {  	s0 =	sor.u32 s1, s0  }
0x43: {  	s0 =	sadd.s32 $0x8F2B, s0  }
0x44: {  	[sflag:s0] =	ssyncadd.remote.s32 $0x1  }
0x45: {  	_ =	sfence.sel $0xFFFF  }
0x46: {  	[dreg:$0x0] =	wrdreg $0xFFFFFFFF;
	(pc) =	sbr.abs _section_cstart, $3  }
0x47: {  	[dreg:$0x1] =	wrdreg $0xFFFFFFFF  }
0x48: {  	_ =	task.clear_ibuf [dreg:s23], $0x2FFFF;
	_ =	strace $0x9FFFFFFF  }
0x49: {  	(tm) =	ssettm $0x7FFFFFFF  }
tec
execute0_lowered:
.L_overlay_start_1:
0x0: {  	(tag) =	ssettag $0x1  }
0x1: {  	s0 =	srdreg.scid  }
0x2: {  	s1 =	sshll.u32 s0, $0x4  }
0x3: {  	s3 =	rddreg [dreg:$0x0];
	s0 =	stileid.u32;
	s1 =	sand.u32 $0x10, s1  }
0x4: {  	s6 =	rddreg [dreg:$0x1];
	s1 =	sor.u32 s0, s1  }
0x5: {  	s5 =	simm.s32 $0x1;
	s31 =	simm.s32 $0x2;
	s2 =	sshll.u32 s1, $0x7  }
0x6: {  	s15 =	simm.s32 $0x0;
	s8 =	simm.s32 $0x1800;
	s4 =	ssub.s32 $0x2000, s2  }
0x7: {  	s9 =	simm.s32 $0x0;
	s14 =	simm.s32 $0x0;
	s30 =	sand.u32 $0xF80, s4  }
0x8: {  	s16 =	simm.s32 $0x0;
	s10 =	simm.s32 $0x0;
	p0 =	sne.s32 s30, $0x0  }
.Ltmp0:
0x9: {  	s7 =	sshrl.u32 s4, $0xC;
	s5 =	simm.s32 @!p0 $0x0;
	(pc) =	sbr.rel .LBB1_1-.Ltmp0, $4  }
0xa: {  	s11 =	simm.s32 $0x0;
	s1 =	rddreg [dreg:$0x2];
	s5 =	sadd.s32 s5, s7  }
0xb: {  	_ =	strace $0x80000053;
	s4 =	simm.s32 $0x1;
	s5 =	smul.u32 $0x18, s5  }
0xc: {  	s13 =	simm.s32 $0x0;
	s6 =	sadd.s32 $0x630400, s6;
	[sflag:s4] =	ssyncpa.u1 $0x0  }
0xd: {  	s12 =	smov.u32 s2;
	[sflag:s31] =	ssyncpa.u1 $0x0;
	s7 =	sor.u32 $0x1, s5  }
.LBB1_4:
0xe: {  	_ =	sdelay $0x2  }
0xf: {  	s20 =	sshrl.u32 s16, $0x3  }
0x10: {  	[tilespmem:v0+s19+$0xFFFFFFD0 ss:$0x1] =	vst.idx.msk $0xffff, v7;
	s21 =	sshll.u32 s15, $0x3;
	s20 =	smul.u32 $0x1800, s20  }
0x11: {  	v56 =	vld.idx.msk [tilespmem:v1+s18+$0x0 ss:$0x1], $0xffff;
	[tilespmem:v0+s19+$0xFFFFFFE0 ss:$0x1] =	vst.idx.msk $0xffff, v5;
	s27 =	sshll.u32 s16, $0x7;
	s21 =	sand.u32 $0xFFFFFC00, s21  }
0x12: {  	v57 =	vld.idx.msk [tilespmem:v1+s18+$0xFFFFFF90 ss:$0x1], $0xffff;
	[tilespmem:v0+s19+$0xFFFFFFF0 ss:$0x1] =	vst.idx.msk $0xffff, v4;
	s16 =	sand.u32 $0x380, s27;
	s20 =	sadd.s32 s20, s21  }
0x13: {  	v58 =	vld.idx.msk [tilespmem:v1+s18+$0xFFFFFFA0 ss:$0x1], $0xffff;
	[tilespmem:v0+s19+$0x0 ss:$0x1] =	vst.idx.msk $0xffff, v2;
	s28 =	sand.u32 $0x7F, s15;
	s16 =	sor.u32 s16, s20  }
0x14: {  	v59 =	vld.idx.msk [tilespmem:v1+s18+$0xFFFFFFB0 ss:$0x1], $0xffff;
	[tilespmem:v0+s19+$0x10 ss:$0x1] =	vst.idx.msk $0xffff, v3;
	s15 =	sor.u32 s28, s16  }
0x15: {  	v60 =	vld.idx.msk [tilespmem:v1+s18+$0xFFFFFFC0 ss:$0x1], $0xffff;
	[tilespmem:v0+s19+$0x20 ss:$0x1] =	vst.idx.msk $0xffff, v6;
	s29 =	smulhi.u32 $0xAAAAAAAB, s15  }
0x16: {  	v61 =	vld.idx.msk [tilespmem:v1+s18+$0xFFFFFFD0 ss:$0x1], $0xffff;
	[tilespmem:v0+s18+$0x30 ss:$0x1] =	vst.idx.msk $0xffff, v56;
	s16 =	smulhi.u32 $0xAAAAAAAB, s16  }
0x17: {  	v62 =	vld.idx.msk [tilespmem:v1+s18+$0xFFFFFFE0 ss:$0x1], $0xffff;
	[tilespmem:v0+s18+$0xFFFFFFC0 ss:$0x1] =	vst.idx.msk $0xffff, v57;
	s19 =	sshrl.u32 s29, $0x9  }
0x18: {  	v63 =	vld.idx.msk [tilespmem:v1+s18+$0xFFFFFFF0 ss:$0x1], $0xffff;
	[tilespmem:v0+s18+$0xFFFFFFD0 ss:$0x1] =	vst.idx.msk $0xffff, v58;
	s16 =	sshrl.u32 s16, $0x9;
	s19 =	smul.u32 $0x300, s19  }
0x19: {  	s14 =	smul.u32 $0xC0000, s14;
	[tilespmem:v0+s18+$0xFFFFFFE0 ss:$0x1] =	vst.idx.msk $0xffff, v59;
	s16 =	sand.u32 $0x1FFF, s16  }
0x1a: {  	[tilespmem:v0+s18+$0xFFFFFFF0 ss:$0x1] =	vst.idx.msk $0xffff, v60;
	s16 =	smul.u32 $0x60, s16;
	s15 =	ssub.s32 s15, s19  }
0x1b: {  	s14 =	sadd.s32 s6, s14;
	[tilespmem:v0+s18+$0x0 ss:$0x1] =	vst.idx.msk $0xffff, v61;
	s19 =	sand.u32 $0x7, s15  }
0x1c: {  	[tilespmem:v0+s18+$0x10 ss:$0x1] =	vst.idx.msk $0xffff, v62;
	s14 =	sadd.s32 s16, s14;
	s15 =	sshrl.u32 s15, $0x3;
	s30 =	sshll.u32 s19, $0x12  }
0x1d: {  	[tilespmem:v0+s18+$0x20 ss:$0x1] =	vst.idx.msk $0xffff, v63;
	s14 =	sadd.s32 s15, s14;
	s31 =	sor.u32 $0x400, s30  }
0x1e: {  	[hbm4b:s14+s31] =	stream.strided.scatter [tilespmem:s17], [sflag:$0x2], $0x4000, s8, s31, $0x38;
	[tilespmem:$0x10000] =	vst v63  }
.LBB1_5:
0x1f: {  	s17 =	sadd.s32 $0x80, s10  }
0x20: {  	s14 =	simm.s32 $0x1;
	p1 =	sgt.s32 s17, $0x2FF  }
0x21: {  	s14 =	simm.s32 @!p1 $0x0  }
0x22: {  	s18 =	sadd.s32 s14, s11  }
0x23: {  	s20 =	smov.u32 s12;
	s14 =	sadd.s32 $0x1000, s12;
	p2 =	sgt.s32 s18, $0x3  }
0x24: {  	s20 =	smov.u32 @p2 s14  }
0x25: {  	s17 =	simm.s32 @p1 $0x0;
	p1 =	sgt.s32 s20, $0x1FFF  }
0x26: {  	p0 =	slt.u32 s13, $0x2;
	s20 =	smov.u32 @p1 s2;
	p1 =	sne.s32 s13, s7  }
.Ltmp1:
0x27: {  	s19 =	simm.s32 @!p0 $0x2;
	(pc) =	sbr.rel @!p1 .LBB1_6-.Ltmp1, $4  }
0x28: {  	s15 =	smov.u32 s10;
	s16 =	smov.u32 s12;
	_ =	swait.ge @!p0 [sflag:s19], $0x4000  }
0x29: {  	s9 =	sadd.s32 $0x4000, s9;
	[sflag:s19] =	ssyncset.done @!p0 $0x0;
	s10 =	smov.u32 s17  }
0x2a: {  	[sflag:s19] =	ssyncadd.s32 @!p0 $0xFFFFC000;
	s18 =	simm.s32 @p2 $0x0;
	s14 =	smov.u32 s11  }
0x2b: {  	s11 =	smov.u32 s18;
	s13 =	sadd.s32 $0x1, s13;
	s12 =	smov.u32 s20  }
.LBB1_1:
0x2c: {  	p0 =	sge.u32 s13, s5  }
0x2d: {  	s17 =	sshrl.u32 @!p0 s11, $0x2  }
0x2e: {  	s18 =	sshll.u32 @!p0 s10, $0x2;
	s17 =	smul.u32 @!p0 $0xC00, s17  }
0x2f: {  	s19 =	sshll.u32 @!p0 s11, $0x7;
	s18 =	sand.u32 @!p0 $0xFFFFFE00, s18  }
0x30: {  	s17 =	sadd.s32 @!p0 s17, s18;
	s18 =	sand.u32 @!p0 $0x180, s19  }
0x31: {  	s19 =	sand.u32 @!p0 $0x7F, s10;
	s17 =	sor.u32 @!p0 s18, s17  }
0x32: {  	s18 =	sor.u32 @!p0 s19, s17  }
0x33: {  	s19 =	smulhi.u32 @!p0 $0xAAAAAAAB, s18  }
0x34: {  	s17 =	smulhi.u32 @!p0 $0xAAAAAAAB, s17  }
0x35: {  	s19 =	sshrl.u32 @!p0 s19, $0x9  }
0x36: {  	s31 =	sadd.s32 $0xFFFFFFFF, s13;
	s17 =	sshrl.u32 @!p0 s17, $0x9;
	s19 =	smul.u32 @!p0 $0x300, s19  }
0x37: {  	s20 =	sxor.u32 @!p0 $0xFFFFFFFF, s13;
	s21 =	smul.u32 @!p0 $0x180, s12;
	s17 =	sand.u32 @!p0 $0x3, s17  }
0x38: {  	s20 =	sshll.u32 @!p0 s20, $0xE;
	s17 =	smul.u32 @!p0 $0x60, s17;
	s18 =	ssub.s32 @!p0 s18, s19  }
0x39: {  	s19 =	sand.u32 @!p0 $0x4000, s20;
	s20 =	sadd.s32 @!p0 s3, s21;
	s21 =	sand.u32 @!p0 $0x7, s18  }
0x3a: {  	s18 =	sshrl.u32 @!p0 s18, $0x3;
	s17 =	sadd.s32 @!p0 s17, s20;
	s20 =	sshll.u32 @!p0 s21, $0x12  }
0x3b: {  	s17 =	sadd.s32 @!p0 s18, s17;
	s18 =	sor.u32 @!p0 $0x80, s20;
	s20 =	simm.s32 @!p0 $0xC00  }
0x3c: {  	[tilespmem:s19], [sflag:$0x1] =	stream.strided.gather @!p0 [hbm4b:s17+s18], $0x4000, s20, s18, $0x38;
	[tilespmem:$0x10000] =	vst v63  }
0x3d: {  	p0 =	sge.u32 s31, s5  }
.Ltmp2:
0x3e: {  	_ = 	snop;
	(pc) =	sbr.rel @p0 .LBB1_5-.Ltmp2, $1  }
0x3f: {  	_ =	sdelay $0x3  }
0x40: {  	s17 =	sand.u32 $0x4000, s9  }
0x41: {  	s18 =	sor.u32 $0x70, s17  }
0x42: {  	v1 =	vmov s18;
	_ =	sdelay $0x1  }
0x43: {  	_ =	swait.ge [sflag:s4], $0x4000  }
0x44: {  	[sflag:s4] =	ssyncset.done $0x0  }
0x45: {  	s19 =	simm.s32 $0x0;
	[sflag:s4] =	ssyncadd.s32 $0xFFFFC000  }
0x46: {  	s17 =	sor.u32 $0x8040, s17;
	v6 =	vld.idx.msk [tilespmem:v1+s19+$0x0 ss:$0x1], $0xffff  }
0x47: {  	v0 =	vmov s17;
	v8 =	vld.idx.msk [tilespmem:v1+s19+$0xFFFFFF90 ss:$0x1], $0xffff  }
0x48: {  	v7 =	vld.idx.msk [tilespmem:v1+s19+$0xFFFFFFA0 ss:$0x1], $0xffff  }
0x49: {  	v5 =	vld.idx.msk [tilespmem:v1+s19+$0xFFFFFFB0 ss:$0x1], $0xffff  }
0x4a: {  	v4 =	vld.idx.msk [tilespmem:v1+s19+$0xFFFFFFC0 ss:$0x1], $0xffff  }
0x4b: {  	s31 =	sshll.u32 s13, $0xE;
	v2 =	vld.idx.msk [tilespmem:v1+s19+$0xFFFFFFD0 ss:$0x1], $0xffff  }
0x4c: {  	s17 =	sand.u32 $0x4000, s31;
	v3 =	vld.idx.msk [tilespmem:v1+s19+$0xFFFFFFE0 ss:$0x1], $0xffff;
	[tilespmem:v0+s19+$0x30 ss:$0x1] =	vst.idx.msk $0xffff, v6  }
0x4d: {  	s20 =	simm.s32 $0x400;
	s18 =	simm.s32 $0x80;
	s17 =	sor.u32 $0x8000, s17;
	[tilespmem:v0+s19+$0xFFFFFFC0 ss:$0x1] =	vst.idx.msk $0xffff, v8;
	v6 =	vld.idx.msk [tilespmem:v1+s19+$0xFFFFFFF0 ss:$0x1], $0xffff  }
.LBB1_3:
0x4e: {  	p0 =	sne.s32 s20, $0xFE00;
	v8 =	vld.idx.msk [tilespmem:v1+s18+$0x0 ss:$0x1], $0xffff;
	[tilespmem:v0+s19+$0xFFFFFFD0 ss:$0x1] =	vst.idx.msk $0xffff, v7  }
0x4f: {  	v9 =	vld.idx.msk [tilespmem:v1+s18+$0xFFFFFF90 ss:$0x1], $0xffff;
	[tilespmem:v0+s19+$0xFFFFFFE0 ss:$0x1] =	vst.idx.msk $0xffff, v5  }
0x50: {  	v7 =	vld.idx.msk [tilespmem:v1+s18+$0xFFFFFFA0 ss:$0x1], $0xffff;
	[tilespmem:v0+s19+$0xFFFFFFF0 ss:$0x1] =	vst.idx.msk $0xffff, v4  }
.Ltmp3:
0x51: {  	v5 =	vld.idx.msk [tilespmem:v1+s18+$0xFFFFFFB0 ss:$0x1], $0xffff;
	[tilespmem:v0+s19+$0x0 ss:$0x1] =	vst.idx.msk $0xffff, v2;
	(pc) =	sbr.rel @p0 .LBB1_3-.Ltmp3, $4  }
0x52: {  	v4 =	vld.idx.msk [tilespmem:v1+s18+$0xFFFFFFC0 ss:$0x1], $0xffff;
	[tilespmem:v0+s19+$0x10 ss:$0x1] =	vst.idx.msk $0xffff, v3  }
0x53: {  	v2 =	vld.idx.msk [tilespmem:v1+s18+$0xFFFFFFD0 ss:$0x1], $0xffff;
	[tilespmem:v0+s19+$0x20 ss:$0x1] =	vst.idx.msk $0xffff, v6;
	s19 =	smov.u32 s18  }
0x54: {  	v3 =	vld.idx.msk [tilespmem:v1+s19+$0xFFFFFFE0 ss:$0x1], $0xffff;
	[tilespmem:v0+s19+$0x30 ss:$0x1] =	vst.idx.msk $0xffff, v8  }
0x55: {  	s18 =	sshra.s32 s20, $0x2;
	s20 =	sadd.s32 $0x200, s20;
	[tilespmem:v0+s19+$0xFFFFFFC0 ss:$0x1] =	vst.idx.msk $0xffff, v9;
	v6 =	vld.idx.msk [tilespmem:v1+s19+$0xFFFFFFF0 ss:$0x1], $0xffff  }
.Ltmp4:
0x56: {  	_ = 	snop;
	(pc) =	sbr.rel .LBB1_4-.Ltmp4, $1  }
0x57: {  	_ =	sdelay $0x3  }
.LBB1_6:
0x58: {  	_ =	sfence.sel $0x180000  }
0x59: {  	s2 =	simm.s32 $0x1;
	[bflag:$0x0] =	sbarrier.arrive $0xFFFF  }
0x5a: {  	s31 =	simm.s32 $0x2;
	[sflag:s2] =	ssyncpa.u1 $0x1  }
0x5b: {  	[sflag:s31] =	ssyncpa.u1 $0x1  }
0x5c: {  	p0 =	sne.s32 s0, $0x0;
	_ =	strace $0x90000053  }
0x5d: {  	s0 =	sadd.s32 @!p0 $0x100000, s1;
	[bflag:$0x2] =	sbarrier.arrive $0xFFFF  }
0x5e: {  	[sflag:s0] =	ssyncadd.tile.s32 @!p0 $0x1;
	_ =	shalt  }
.Lfunc_end1:
_tile_overlayer_lowered:
.L_overlay_start_2:
0x5f: {  	(tag) =	ssettag $0x2  }
0x60: {  	s0 =	rddreg [dreg:$0x0];
	s2 =	stileid.u32  }
0x61: {  	s1 =	rddreg [dreg:$0x1];
	p0 =	sne.s32 s2, $0x0  }
0x62: {  	s3 =	rddreg [dreg:$0x2];
	[bflag:$0x3] =	sbarrier.arrive $0xFFFF;
	s2 =	simm.s32 @!p0 $0x1C01  }
0x63: {  	[timem:s3], [sflag:s2] =	dma.local @!p0 [hbm:s0], s1  }
0x64: {  	s0 =	simm.s32 @!p0 $0x1  }
0x65: {  	_ =	swait.ge @!p0 [sflag:s0], s1  }
0x66: {  	s1 =	ssub.s32 @!p0 $0x0, s1;
	[sflag:s0] =	ssyncset.done @!p0 $0x0  }
0x67: {  	[sflag:s0] =	ssyncadd.s32 @!p0 s1  }
0x68: {  	[bflag:$0x3] =	sbarrier.arrive $0xFFFF  }
0x69: {  	_ =	shalt  }

// kernel: sparse-core-data-format-call.3.cloned.1.call-start
scs
called_computation.3_lowered:
.L_overlay_start_0:
0x0: {  	s2 =	sld [smem:$0x3FD9]  }
0x1: {  	s3 =	sld [smem:$0x3FFE];
	_ =	sdelay $0x1  }
0x2: {  	s1 =	srdreg.scid  }
0x3: {  	s0 =	sand.u32 $0x1, s1  }
0x4: {  	s18 =	sshll.u32 s0, $0xA;
	s2 =	sadd.s32 s3, s2  }
0x5: {  	s2 =	sadd.s32 s2, s18  }
0x6: {  	[smem:$0x3FC5] =	sst s2  }
0x7: {  	_ = 	snop  }
0x8: {  	s2 =	sld [smem:$0x3FC9];
	(tm) =	ssettm $0x1  }
0x9: {  	s19 =	sld [smem:$0x3FFB];
	_ =	sdelay $0x3  }
0xa: {  	_ =	strace s19  }
0xb: {  	s3 =	sld [smem:$0x3FFC];
	_ =	sdelay $0x3  }
0xc: {  	_ =	strace s3  }
0xd: {  	s3 =	sld [smem:$0x3FFD];
	_ =	sdelay $0x3  }
0xe: {  	_ =	strace s3  }
0xf: {  	_ =	strace $0x8FFFFFFF  }
0x10: {  	s20 =	sld [smem:$0x3FDB];
	_ =	sdelay $0x1  }
0x11: {  	s4 =	simm.s32 $_scs_section_size  }
0x12: {  	s5 =	simm.s32 $_size__tile_overlayer_lowered;
	s6 =	simm.s32 $_tile_overlayer_lowered  }
0x13: {  	s23 =	simm.s32 $0x1BFF;
	s22 =	sshll.u32 s6, $0x1;
	s3 =	sadd.s32 s4, s20  }
0x14: {  	s7 =	simm.s32 $0x0;
	s21 =	sshll.u32 s5, $0x1;
	s5 =	sadd.s32 s22, s3  }
0x15: {  	[timem:s7], [sflag:s23] =	dma.local [hbm:s5], s21  }
0x16: {  	_ =	swait.ge [sflag:s23], s21  }
0x17: {  	s4 =	ssub.s32 $0x0, s21;
	[sflag:s23] =	ssyncset.done $0x0  }
0x18: {  	[sflag:s23] =	ssyncadd.s32 s4;
	_ =	sdelay $0x1  }
0x19: {  	s24 =	simm.s32 $0x1B8B  }
0x1a: {  	_ =	swait.ge [sflag:s24], $0x1  }
0x1b: {  	[sflag:s24] =	ssyncset.done $0x0  }
0x1c: {  	s26 =	simm.s32 $0x1B8E;
	s25 =	sld [smem:$0x3FFE];
	[sflag:s24] =	ssyncadd.s32 $0xFFFFFFFF  }
0x1d: {  	s27 =	simm.s32 $execute0_lowered;
	[smem:$0x3FD2] =	sst s26  }
0x1e: {  	s5 =	sshll.u32 s27, $0x1;
	_ =	strace $0x80000046;
	[dreg:$0x1] =	wrdreg $0xFFFFFFFF  }
0x1f: {  	s28 =	simm.s32 $_size_execute0_lowered;
	s3 =	sadd.s32 s3, s5;
	[dreg:$0x0] =	wrdreg $0x0  }
0x20: {  	s5 =	sshll.u32 s28, $0x1;
	[dreg:$0x2] =	wrdreg s3  }
0x21: {  	[dreg:$0x3] =	wrdreg s5  }
0x22: {  	[dreg:$0x4] =	wrdreg $0xC0  }
0x23: {  	_ =	task [dreg:s7], $0x5FFFF  }
0x24: {  	[dreg:$0x1] =	wrdreg $0xFFFFFFFF  }
0x25: {  	[dreg:$0x0] =	wrdreg $0x60  }
0x26: {  	[dreg:$0x2] =	wrdreg s2  }
0x27: {  	[dreg:$0x3] =	wrdreg s25  }
0x28: {  	[dreg:$0x4] =	wrdreg $0x9  }
0x29: {  	_ =	task.clear_ibuf [dreg:s7], $0x5FFFF;
	_ =	strace $0x90000046  }
0x2a: {  	s29 =	simm.s32 $0x9;
	_ =	strace $0x80000048  }
0x2b: {  	_ =	swait.ge [sflag:s29], $0x1  }
0x2c: {  	[sflag:s29] =	ssyncadd.s32 $0xFFFFFFFF  }
0x2d: {  	_ =	strace $0x90000048  }
0x2e: {  	_ =	sfence  }
0x2f: {  	s30 =	sld [smem:$0x0];
	_ =	sdelay $0x2  }
0x30: {  	s31 =	sshll.u32 s1, $0xD;
	s1 =	sshrl.u32 s1, $0x2  }
0x31: {  	s3 =	sand.u32 $0x4000, s31;
	s1 =	sadd.s32 s1, s30  }
0x32: {  	s0 =	sor.u32 s3, s0;
	s1 =	sshll.u32 s1, $0x11  }
0x33: {  	s0 =	sor.u32 s1, s0  }
0x34: {  	s0 =	sadd.s32 $0x8F2B, s0  }
0x35: {  	[sflag:s0] =	ssyncadd.remote.s32 $0x1  }
0x36: {  	_ =	sfence.sel $0xFFFF  }
0x37: {  	[dreg:$0x0] =	wrdreg $0xFFFFFFFF;
	(pc) =	sbr.abs _section_cstart, $3  }
0x38: {  	[dreg:$0x1] =	wrdreg $0xFFFFFFFF  }
0x39: {  	_ =	task.clear_ibuf [dreg:s7], $0x2FFFF;
	_ =	strace $0x9FFFFFFF  }
0x3a: {  	(tm) =	ssettm $0x7FFFFFFF  }
0x3b: {  	_ =	shalt  }
tec
execute0_lowered:
.L_overlay_start_1:
0x0: {  	(tag) =	ssettag $0x1  }
0x1: {  	s2 =	rddreg [dreg:$0x0]  }
0x2: {  	s3 =	rddreg [dreg:$0x1]  }
0x3: {  	s1 =	srdreg.scid;
	s0 =	rddreg [dreg:$0x2];
	_ =	strace $0x80000047  }
0x4: {  	s5 =	simm.s32 $0x1;
	s7 =	simm.s32 $0x2;
	s15 =	simm.s32 $0x0  }
0x5: {  	p0 =	por $0x0, $0x0;
	s13 =	simm.s32 $0x0;
	s12 =	simm.s32 $0x0  }
.Ltmp0:
0x6: {  	s14 =	simm.s32 $0x0;
	s4 =	sshll.u32 s1, $0x4;
	(pc) =	sbr.rel .LBB1_1-.Ltmp0, $4  }
0x7: {  	s8 =	simm.s32 $0x0;
	s1 =	stileid.u32;
	s4 =	sand.u32 $0x10, s4  }
0x8: {  	s10 =	simm.s32 $0x0;
	[sflag:s5] =	ssyncpa.u1 $0x0;
	s6 =	sor.u32 s1, s4  }
0x9: {  	[sflag:s7] =	ssyncpa.u1 $0x0;
	s4 =	sand.u32 $0x3, s1;
	s6 =	sshrl.u32 s6, $0x2  }
0xa: {  	s7 =	simm.s32 $0x0;
	s11 =	smov.u32 s4;
	s9 =	smov.u32 s6  }
.LBB1_5:
0xb: {  	s16 =	sadd.s32 $0x80, s8  }
0xc: {  	s12 =	sadd.s32 $0x8, s9;
	s17 =	smov.u32 s9;
	p2 =	sgt.s32 s16, $0x2FF  }
0xd: {  	s17 =	smov.u32 @p2 s12  }
0xe: {  	s18 =	smov.u32 s10;
	s12 =	sadd.s32 $0x80, s10;
	p3 =	sgt.s32 s17, $0x3F  }
0xf: {  	s18 =	smov.u32 @p3 s12  }
0x10: {  	s19 =	smov.u32 s11;
	s12 =	sadd.s32 $0x4, s11;
	p4 =	sgt.s32 s18, $0x7F  }
0x11: {  	p1 =	slt.u32 s7, $0x2;
	s19 =	smov.u32 @p4 s12  }
0x12: {  	s7 =	sadd.s32 $0x1, s7;
	s16 =	simm.s32 @p2 $0x0;
	p2 =	sgt.s32 s19, $0x3  }
0x13: {  	s15 =	smov.u32 s8;
	s19 =	smov.u32 @p2 s4;
	p2 =	sne.s32 s7, $0x32  }
.Ltmp1:
0x14: {  	s13 =	smov.u32 s9;
	s20 =	simm.s32 @!p1 $0x2;
	(pc) =	sbr.rel @!p2 .LBB1_6-.Ltmp1, $4  }
0x15: {  	s14 =	smov.u32 s11;
	p0 =	por !p0, !p0;
	_ =	swait.ge @!p1 [sflag:s20], $0x4000  }
0x16: {  	[sflag:s20] =	ssyncset.done @!p1 $0x0;
	s8 =	smov.u32 s16;
	s17 =	smov.u32 @p3 s6  }
0x17: {  	[sflag:s20] =	ssyncadd.s32 @!p1 $0xFFFFC000;
	s9 =	smov.u32 s17;
	s18 =	simm.s32 @p4 $0x0  }
0x18: {  	s12 =	smov.u32 s10;
	s10 =	smov.u32 s18;
	s11 =	smov.u32 s19  }
.LBB1_1:
0x19: {  	p1 =	sgt.u32 s7, $0x2F  }
0x1a: {  	s16 =	sshrl.u32 @!p1 s9, $0x3  }
0x1b: {  	s17 =	sshll.u32 @!p1 s8, $0x3;
	s16 =	smul.u32 @!p1 $0x1800, s16  }
0x1c: {  	s18 =	sshll.u32 @!p1 s9, $0x7;
	s17 =	sand.u32 @!p1 $0xFFFFFC00, s17  }
0x1d: {  	s16 =	sadd.s32 @!p1 s16, s17;
	s17 =	sand.u32 @!p1 $0x380, s18  }
0x1e: {  	s18 =	sand.u32 @!p1 $0x7F, s8;
	s16 =	sor.u32 @!p1 s17, s16  }
0x1f: {  	s17 =	sor.u32 @!p1 s18, s16  }
0x20: {  	s18 =	smulhi.u32 @!p1 $0xAAAAAAAB, s17  }
0x21: {  	s16 =	smulhi.u32 @!p1 $0xAAAAAAAB, s16  }
0x22: {  	s20 =	smul.u32 @!p1 $0xC0000, s11;
	s18 =	sshrl.u32 @!p1 s18, $0x9  }
0x23: {  	s19 =	sxor.u32 @!p1 $0xFFFFFFFF, s7;
	s16 =	sshrl.u32 @!p1 s16, $0x9;
	s18 =	smul.u32 @!p1 $0x300, s18  }
0x24: {  	s21 =	smul.u32 @!p1 $0x1800, s10;
	s19 =	sshll.u32 @!p1 s19, $0xE;
	s16 =	sand.u32 @!p1 $0x3F, s16  }
0x25: {  	s16 =	smul.u32 @!p1 $0x60, s16;
	s17 =	ssub.s32 @!p1 s17, s18;
	s18 =	sadd.s32 @!p1 s2, s20  }
0x26: {  	s19 =	sand.u32 @!p1 $0x4000, s19;
	s18 =	sadd.s32 @!p1 s21, s18;
	s20 =	sand.u32 @!p1 $0x7, s17  }
0x27: {  	s17 =	sshrl.u32 @!p1 s17, $0x3;
	s16 =	sadd.s32 @!p1 s16, s18;
	s18 =	sshll.u32 @!p1 s20, $0x12  }
0x28: {  	s16 =	sadd.s32 @!p1 s17, s16;
	s17 =	sor.u32 @!p1 $0x80, s18;
	s18 =	simm.s32 @!p1 $0xC000  }
0x29: {  	[tilespmem:s19], [sflag:$0x1] =	stream.strided.gather @!p1 [hbm4b:s16+s17], $0x4000, s18, s17, $0x38;
	[tilespmem:$0x10100] =	vst v63  }
0x2a: {  	p1 =	seq.s32 s7, $0x0  }
0x2b: {  	p2 =	seq.s32 @!p1 s7, $0x31  }
0x2c: {  	p1 =	por p1, p2  }
.Ltmp2:
0x2d: {  	_ = 	snop;
	(pc) =	sbr.rel @p1 .LBB1_5-.Ltmp2, $1  }
0x2e: {  	_ =	sdelay $0x3  }
0x2f: {  	s16 =	simm.s32 $0x1  }
0x30: {  	_ =	swait.ge [sflag:s5], $0x4000;
	s16 =	simm.s32 @!p0 $0x0  }
0x31: {  	[sflag:s5] =	ssyncset.done $0x0;
	s17 =	sshll.u32 s16, $0xE  }
0x32: {  	[sflag:s5] =	ssyncadd.s32 $0xFFFFC000;
	s19 =	sor.u32 $0x40, s17  }
0x33: {  	s16 =	smul.u32 $0x10200, s16;
	v0 =	vld [tilespmem:s19+$0x30]  }
0x34: {  	v1 =	vld [tilespmem:s19+$0xFFFFFFD0]  }
0x35: {  	s16 =	sshrl.u32 s16, $0x2;
	v5 =	vld [tilespmem:s19+$0xFFFFFFE0]  }
0x36: {  	v6 =	vld [tilespmem:s19+$0xFFFFFFF0];
	s17 =	sor.u32 $0x8000, s16  }
0x37: {  	s31 =	sand.u32 $0x1, s7;
	v3 =	vld [tilespmem:s19+$0x0];
	s18 =	sadd.s32 $0x0, s17  }
0x38: {  	v4 =	vld [tilespmem:s19+$0x10];
	s16 =	smul.u32 $0x10200, s31;
	[tilespmem:s18+$0x3870 ss:$0x81] =	vst.msk $0xffff, v0  }
0x39: {  	v2 =	vld [tilespmem:s19+$0x20];
	[tilespmem:s18+$0x810 ss:$0x81] =	vst.msk $0xffff, v1  }
0x3a: {  	s16 =	sshrl.u32 s16, $0x2;
	v0 =	vld [tilespmem:s19+$0xFFFFFFC0];
	[tilespmem:s18+$0x1020 ss:$0x81] =	vst.msk $0xffff, v5;
	s19 =	sadd.s32 $0x80, s19  }
0x3b: {  	s20 =	simm.s32 $0x4;
	s21 =	simm.s32 $0x8;
	s16 =	sor.u32 $0x8000, s16;
	[tilespmem:s18+$0x1830 ss:$0x81] =	vst.msk $0xffff, v6;
	v1 =	vld [tilespmem:s19+$0x30]  }
.LBB1_3:
0x3c: {  	p1 =	sne.s32 s21, $0x1FC;
	v5 =	vld [tilespmem:s19+$0xFFFFFFD0];
	[tilespmem:s18+$0x2040 ss:$0x81] =	vst.msk $0xffff, v3  }
0x3d: {  	v6 =	vld [tilespmem:s19+$0xFFFFFFE0];
	[tilespmem:s18+$0x2850 ss:$0x81] =	vst.msk $0xffff, v4  }
0x3e: {  	s22 =	sshra.s32 s20, $0x2;
	s20 =	smov.u32 s21;
	v7 =	vld [tilespmem:s19+$0xFFFFFFF0];
	[tilespmem:s18+$0x3060 ss:$0x81] =	vst.msk $0xffff, v2  }
.Ltmp3:
0x3f: {  	v3 =	vld [tilespmem:s19+$0x0];
	[tilespmem:s18+$0x0 ss:$0x81] =	vst.msk $0xffff, v0;
	s18 =	sadd.s32 s22, s17;
	(pc) =	sbr.rel @p1 .LBB1_3-.Ltmp3, $4  }
0x40: {  	v4 =	vld [tilespmem:s19+$0x10];
	[tilespmem:s18+$0x3870 ss:$0x81] =	vst.msk $0xffff, v1  }
0x41: {  	[tilespmem:s18+$0x810 ss:$0x81] =	vst.msk $0xffff, v5;
	v2 =	vld [tilespmem:s19+$0x20]  }
0x42: {  	v0 =	vld [tilespmem:s19+$0xFFFFFFC0];
	[tilespmem:s18+$0x1020 ss:$0x81] =	vst.msk $0xffff, v6;
	s19 =	sadd.s32 $0x80, s19  }
0x43: {  	s21 =	sadd.s32 $0x4, s21;
	v1 =	vld [tilespmem:s19+$0x30];
	[tilespmem:s18+$0x1830 ss:$0x81] =	vst.msk $0xffff, v7  }
0x44: {  	s15 =	sshll.u32 s15, $0x7;
	s21 =	sshll.u32 s12, $0x3  }
0x45: {  	v5 =	vld [tilespmem:s19+$0xFFFFFFD0];
	[tilespmem:s18+$0x2040 ss:$0x81] =	vst.msk $0xffff, v3;
	s22 =	sand.u32 $0xFFFFFC00, s15;
	s21 =	sand.u32 $0xFFFFFC00, s21  }
0x46: {  	v58 =	vld [tilespmem:s19+$0xFFFFFFE0];
	s15 =	sand.u32 $0x380, s15;
	[tilespmem:s18+$0x2850 ss:$0x81] =	vst.msk $0xffff, v4;
	s21 =	sadd.s32 s21, s22  }
0x47: {  	s20 =	sshra.s32 s20, $0x2;
	v59 =	vld [tilespmem:s19+$0xFFFFFFF0];
	[tilespmem:s18+$0x3060 ss:$0x81] =	vst.msk $0xffff, v2;
	s15 =	sor.u32 s15, s21  }
0x48: {  	v60 =	vld [tilespmem:s19+$0x0];
	s17 =	sadd.s32 s20, s17;
	[tilespmem:s18+$0x0 ss:$0x81] =	vst.msk $0xffff, v0;
	s15 =	sshrl.u32 s15, $0x7  }
0x49: {  	v61 =	vld [tilespmem:s19+$0x10];
	[tilespmem:s17+$0x3870 ss:$0x81] =	vst.msk $0xffff, v1;
	s26 =	smulhi.u32 $0xAAAAAB, s15  }
0x4a: {  	v62 =	vld [tilespmem:s19+$0x20];
	s14 =	smul.u32 $0xC0000, s14;
	[tilespmem:s17+$0x810 ss:$0x81] =	vst.msk $0xffff, v5  }
0x4b: {  	v63 =	vld [tilespmem:s19+$0xFFFFFFC0];
	s13 =	smul.u32 $0x3000, s13;
	[tilespmem:s17+$0x1020 ss:$0x81] =	vst.msk $0xffff, v58;
	s27 =	sshrl.u32 s26, $0x1  }
0x4c: {  	[tilespmem:s17+$0x1830 ss:$0x81] =	vst.msk $0xffff, v59;
	s18 =	smul.u32 $0x300, s27  }
.Ltmp4:
0x4d: {  	s28 =	sshrl.u32 s12, $0x3;
	s14 =	sadd.s32 s3, s14;
	[tilespmem:s17+$0x2040 ss:$0x81] =	vst.msk $0xffff, v60;
	(pc) =	sbr.rel .LBB1_5-.Ltmp4, $4  }
0x4e: {  	s29 =	sand.u32 $0xF, s28;
	s13 =	sadd.s32 s13, s14;
	[tilespmem:s17+$0x2850 ss:$0x81] =	vst.msk $0xffff, v61;
	s15 =	ssub.s32 s15, s18  }
0x4f: {  	s13 =	sadd.s32 s29, s13;
	[tilespmem:s17+$0x3060 ss:$0x81] =	vst.msk $0xffff, v62;
	s30 =	sshll.u32 s15, $0x4  }
0x50: {  	s31 =	sand.u32 $0x7, s12;
	[tilespmem:s17+$0x0 ss:$0x81] =	vst.msk $0xffff, v63;
	s13 =	sadd.s32 s30, s13  }
0x51: {  	[hbm4b:s13+s31] =	stream.linear.scatter [tilespmem:s16], [sflag:$0x2], $0x4000, $0x20;
	[tilespmem:$0x10100] =	vst v63  }
.LBB1_6:
0x52: {  	_ =	sfence.sel $0x180000  }
0x53: {  	s2 =	simm.s32 $0x1;
	[bflag:$0x0] =	sbarrier.arrive $0xFFFF  }
0x54: {  	s31 =	simm.s32 $0x2;
	[sflag:s2] =	ssyncpa.u1 $0x1  }
0x55: {  	[sflag:s31] =	ssyncpa.u1 $0x1  }
0x56: {  	p0 =	sne.s32 s1, $0x0;
	_ =	strace $0x90000047  }
0x57: {  	s0 =	sadd.s32 @!p0 $0x100000, s0;
	[bflag:$0x2] =	sbarrier.arrive $0xFFFF  }
0x58: {  	[sflag:s0] =	ssyncadd.tile.s32 @!p0 $0x1;
	_ =	shalt  }
.Lfunc_end1:
_tile_overlayer_lowered:
.L_overlay_start_2:
0x59: {  	(tag) =	ssettag $0x2  }
0x5a: {  	s0 =	rddreg [dreg:$0x0];
	s2 =	stileid.u32  }
0x5b: {  	s1 =	rddreg [dreg:$0x1];
	p0 =	sne.s32 s2, $0x0  }
0x5c: {  	s3 =	rddreg [dreg:$0x2];
	[bflag:$0x3] =	sbarrier.arrive $0xFFFF;
	s2 =	simm.s32 @!p0 $0x1C01  }
0x5d: {  	[timem:s3], [sflag:s2] =	dma.local @!p0 [hbm:s0], s1  }
0x5e: {  	s0 =	simm.s32 @!p0 $0x1  }
0x5f: {  	_ =	swait.ge @!p0 [sflag:s0], s1  }
0x60: {  	s1 =	ssub.s32 @!p0 $0x0, s1;
	[sflag:s0] =	ssyncset.done @!p0 $0x0  }
0x61: {  	[sflag:s0] =	ssyncadd.s32 @!p0 s1  }
0x62: {  	[bflag:$0x3] =	sbarrier.arrive $0xFFFF  }
0x63: {  	_ =	shalt  }

// kernel: sparse-core-data-format-call.cloned.1.call-start
scs
called_computation_lowered:
.L_overlay_start_0:
0x0: {  	s2 =	sld [smem:$0x3FD9]  }
0x1: {  	s3 =	sld [smem:$0x3FFE];
	_ =	sdelay $0x1  }
0x2: {  	s1 =	srdreg.scid  }
0x3: {  	s0 =	sand.u32 $0x1, s1  }
0x4: {  	s18 =	sshll.u32 s0, $0xA;
	s2 =	sadd.s32 s3, s2  }
0x5: {  	s2 =	sadd.s32 s2, s18  }
0x6: {  	[smem:$0x3FC5] =	sst s2  }
0x7: {  	_ = 	snop  }
0x8: {  	s2 =	sld [smem:$0x3FD0];
	(tm) =	ssettm $0x1  }
0x9: {  	s19 =	sld [smem:$0x3FFB];
	_ =	sdelay $0x3  }
0xa: {  	_ =	strace s19  }
0xb: {  	s3 =	sld [smem:$0x3FFC];
	_ =	sdelay $0x3  }
0xc: {  	_ =	strace s3  }
0xd: {  	s3 =	sld [smem:$0x3FFD];
	_ =	sdelay $0x3  }
0xe: {  	_ =	strace s3  }
0xf: {  	_ =	strace $0x8FFFFFFF  }
0x10: {  	s20 =	sld [smem:$0x3FDB];
	_ =	sdelay $0x1  }
0x11: {  	s4 =	simm.s32 $_scs_section_size  }
0x12: {  	s5 =	simm.s32 $_size__tile_overlayer_lowered;
	s6 =	simm.s32 $_tile_overlayer_lowered  }
0x13: {  	s23 =	simm.s32 $0x1BFF;
	s22 =	sshll.u32 s6, $0x1;
	s3 =	sadd.s32 s4, s20  }
0x14: {  	s7 =	simm.s32 $0x0;
	s21 =	sshll.u32 s5, $0x1;
	s5 =	sadd.s32 s22, s3  }
0x15: {  	[timem:s7], [sflag:s23] =	dma.local [hbm:s5], s21  }
0x16: {  	_ =	swait.ge [sflag:s23], s21  }
0x17: {  	s4 =	ssub.s32 $0x0, s21;
	[sflag:s23] =	ssyncset.done $0x0  }
0x18: {  	[sflag:s23] =	ssyncadd.s32 s4;
	_ =	sdelay $0x1  }
0x19: {  	s24 =	simm.s32 $0x1B8B  }
0x1a: {  	_ =	swait.ge [sflag:s24], $0x1  }
0x1b: {  	[sflag:s24] =	ssyncset.done $0x0  }
0x1c: {  	s26 =	simm.s32 $0x1B8E;
	s25 =	sld [smem:$0x3FFE];
	[sflag:s24] =	ssyncadd.s32 $0xFFFFFFFF  }
0x1d: {  	s27 =	simm.s32 $execute0_lowered;
	[smem:$0x3FD2] =	sst s26  }
0x1e: {  	s5 =	sshll.u32 s27, $0x1;
	_ =	strace $0x80000055;
	[dreg:$0x1] =	wrdreg $0xFFFFFFFF  }
0x1f: {  	s28 =	simm.s32 $_size_execute0_lowered;
	s3 =	sadd.s32 s3, s5;
	[dreg:$0x0] =	wrdreg $0x0  }
0x20: {  	s5 =	sshll.u32 s28, $0x1;
	[dreg:$0x2] =	wrdreg s3  }
0x21: {  	[dreg:$0x3] =	wrdreg s5  }
0x22: {  	[dreg:$0x4] =	wrdreg $0xC0  }
0x23: {  	_ =	task [dreg:s7], $0x5FFFF  }
0x24: {  	[dreg:$0x1] =	wrdreg $0xFFFFFFFF  }
0x25: {  	[dreg:$0x0] =	wrdreg $0x60  }
0x26: {  	[dreg:$0x2] =	wrdreg s25  }
0x27: {  	[dreg:$0x3] =	wrdreg s2  }
0x28: {  	[dreg:$0x4] =	wrdreg $0x9  }
0x29: {  	_ =	task.clear_ibuf [dreg:s7], $0x5FFFF;
	_ =	strace $0x90000055  }
0x2a: {  	s29 =	simm.s32 $0x9;
	_ =	strace $0x80000057  }
0x2b: {  	_ =	swait.ge [sflag:s29], $0x1  }
0x2c: {  	[sflag:s29] =	ssyncadd.s32 $0xFFFFFFFF  }
0x2d: {  	_ =	strace $0x90000057  }
0x2e: {  	_ =	sfence  }
0x2f: {  	s30 =	sld [smem:$0x0];
	_ =	sdelay $0x2  }
0x30: {  	s31 =	sshll.u32 s1, $0xD;
	s1 =	sshrl.u32 s1, $0x2  }
0x31: {  	s3 =	sand.u32 $0x4000, s31;
	s1 =	sadd.s32 s1, s30  }
0x32: {  	s0 =	sor.u32 s3, s0;
	s1 =	sshll.u32 s1, $0x11  }
0x33: {  	s0 =	sor.u32 s1, s0  }
0x34: {  	s0 =	sadd.s32 $0x8F2B, s0  }
0x35: {  	[sflag:s0] =	ssyncadd.remote.s32 $0x1  }
0x36: {  	_ =	sfence.sel $0xFFFF  }
0x37: {  	[dreg:$0x0] =	wrdreg $0xFFFFFFFF;
	(pc) =	sbr.abs _section_cstart, $3  }
0x38: {  	[dreg:$0x1] =	wrdreg $0xFFFFFFFF  }
0x39: {  	_ =	task.clear_ibuf [dreg:s7], $0x2FFFF;
	_ =	strace $0x9FFFFFFF  }
0x3a: {  	(tm) =	ssettm $0x7FFFFFFF  }
0x3b: {  	_ =	shalt  }
tec
execute0_lowered:
.L_overlay_start_1:
0x0: {  	(tag) =	ssettag $0x1  }
0x1: {  	s3 =	rddreg [dreg:$0x0]  }
0x2: {  	s2 =	rddreg [dreg:$0x1]  }
0x3: {  	s1 =	srdreg.scid;
	s0 =	rddreg [dreg:$0x2];
	_ =	strace $0x80000056  }
0x4: {  	s7 =	simm.s32 $0x2;
	s12 =	simm.s32 $0x0;
	p0 =	por $0x0, $0x0  }
0x5: {  	s14 =	simm.s32 $0x0;
	s13 =	simm.s32 $0x0;
	s10 =	simm.s32 $0x0  }
.Ltmp0:
0x6: {  	s8 =	simm.s32 $0x0;
	s4 =	sshll.u32 s1, $0x4;
	(pc) =	sbr.rel .LBB1_1-.Ltmp0, $4  }
0x7: {  	s1 =	stileid.u32;
	s3 =	sadd.s32 $0x300000, s3;
	s4 =	sand.u32 $0x10, s4  }
0x8: {  	s5 =	sand.u32 $0x3, s1;
	s6 =	sor.u32 s1, s4;
	s4 =	simm.s32 $0x1  }
0x9: {  	s11 =	smov.u32 s5;
	[sflag:s4] =	ssyncpa.u1 $0x0;
	s6 =	sshrl.u32 s6, $0x2  }
0xa: {  	[sflag:s7] =	ssyncpa.u1 $0x0;
	s7 =	simm.s32 $0x1800;
	s9 =	smov.u32 s6  }
.LBB1_5:
0xb: {  	s15 =	sadd.s32 $0x8, s9  }
0xc: {  	s12 =	sadd.s32 $0x80, s10;
	s16 =	smov.u32 s10;
	p2 =	sgt.s32 s15, $0x3F  }
0xd: {  	s16 =	smov.u32 @p2 s12  }
0xe: {  	s18 =	smov.u32 s11;
	s12 =	sadd.s32 $0x4, s11;
	p3 =	sgt.s32 s16, $0x2FF  }
0xf: {  	p1 =	slt.u32 s8, $0x2;
	s18 =	smov.u32 @p3 s12  }
0x10: {  	s8 =	sadd.s32 $0x1, s8;
	s15 =	smov.u32 @p2 s6;
	p2 =	sgt.s32 s18, $0x3  }
0x11: {  	s18 =	smov.u32 @p2 s5;
	p2 =	sne.s32 s8, $0x32  }
.Ltmp1:
0x12: {  	s17 =	simm.s32 @!p1 $0x2;
	(pc) =	sbr.rel @!p2 .LBB1_6-.Ltmp1, $4  }
0x13: {  	s14 =	smov.u32 s10;
	_ =	swait.ge @!p1 [sflag:s17], $0x4000  }
0x14: {  	s13 =	smov.u32 s11;
	p0 =	por !p0, !p0;
	[sflag:s17] =	ssyncset.done @!p1 $0x0  }
0x15: {  	s16 =	simm.s32 @p3 $0x0;
	s12 =	smov.u32 s9;
	[sflag:s17] =	ssyncadd.s32 @!p1 $0xFFFFC000  }
0x16: {  	s9 =	smov.u32 s15;
	s10 =	smov.u32 s16;
	s11 =	smov.u32 s18  }
.LBB1_1:
0x17: {  	p1 =	sgt.u32 s8, $0x2F  }
0x18: {  	s16 =	smul.u32 @!p1 $0xC0000, s11  }
0x19: {  	s15 =	sxor.u32 @!p1 $0xFFFFFFFF, s8;
	s17 =	sshll.u32 @!p1 s10, $0xA  }
0x1a: {  	s18 =	sshll.u32 @!p1 s9, $0x4;
	s15 =	sshll.u32 @!p1 s15, $0xE;
	s16 =	sadd.s32 @!p1 s3, s16  }
0x1b: {  	s18 =	sand.u32 @!p1 $0x3F0, s18;
	s15 =	sand.u32 @!p1 $0x4000, s15;
	s16 =	sadd.s32 @!p1 s17, s16  }
0x1c: {  	s17 =	simm.s32 @!p1 $0x80;
	s16 =	sadd.s32 @!p1 s18, s16;
	s18 =	simm.s32 @!p1 $0x2000  }
0x1d: {  	[tilespmem:s15], [sflag:$0x1] =	stream.strided.gather @!p1 [hbm4b:s16+s17], $0x4000, s18, s17, $0x38;
	[tilespmem:$0x10100] =	vst v63  }
0x1e: {  	p1 =	seq.s32 s8, $0x0  }
0x1f: {  	p2 =	seq.s32 @!p1 s8, $0x31  }
0x20: {  	p1 =	por p1, p2  }
.Ltmp2:
0x21: {  	_ = 	snop;
	(pc) =	sbr.rel @p1 .LBB1_5-.Ltmp2, $1  }
0x22: {  	_ =	sdelay $0x3  }
0x23: {  	s15 =	simm.s32 $0x1  }
0x24: {  	_ =	swait.ge [sflag:s4], $0x4000;
	s15 =	simm.s32 @!p0 $0x0  }
0x25: {  	[sflag:s4] =	ssyncset.done $0x0;
	s16 =	sshll.u32 s15, $0xE  }
0x26: {  	[sflag:s4] =	ssyncadd.s32 $0xFFFFC000;
	s17 =	sor.u32 $0x40, s16  }
0x27: {  	s15 =	smul.u32 $0x10200, s15;
	v0 =	vld [tilespmem:s17+$0x30]  }
0x28: {  	v1 =	vld [tilespmem:s17+$0xFFFFFFD0]  }
0x29: {  	s15 =	sshrl.u32 s15, $0x2;
	v5 =	vld [tilespmem:s17+$0xFFFFFFE0]  }
0x2a: {  	v6 =	vld [tilespmem:s17+$0xFFFFFFF0];
	s16 =	sor.u32 $0x8000, s15  }
0x2b: {  	s31 =	sand.u32 $0x1, s8;
	v4 =	vld [tilespmem:s17+$0x0];
	s18 =	sadd.s32 $0x0, s16  }
0x2c: {  	v3 =	vld [tilespmem:s17+$0x10];
	s15 =	smul.u32 $0x10200, s31;
	[tilespmem:s18+$0x3870 ss:$0x81] =	vst.msk $0xffff, v0  }
0x2d: {  	v2 =	vld [tilespmem:s17+$0x20];
	[tilespmem:s18+$0x810 ss:$0x81] =	vst.msk $0xffff, v1  }
0x2e: {  	s15 =	sshrl.u32 s15, $0x2;
	v0 =	vld [tilespmem:s17+$0xFFFFFFC0];
	[tilespmem:s18+$0x1020 ss:$0x81] =	vst.msk $0xffff, v5;
	s17 =	sadd.s32 $0x80, s17  }
0x2f: {  	s19 =	simm.s32 $0x4;
	s20 =	simm.s32 $0x8;
	s15 =	sor.u32 $0x8000, s15;
	[tilespmem:s18+$0x1830 ss:$0x81] =	vst.msk $0xffff, v6;
	v1 =	vld [tilespmem:s17+$0x30]  }
.LBB1_3:
0x30: {  	p1 =	sne.s32 s20, $0x1FC;
	v5 =	vld [tilespmem:s17+$0xFFFFFFD0];
	[tilespmem:s18+$0x2040 ss:$0x81] =	vst.msk $0xffff, v4  }
0x31: {  	v6 =	vld [tilespmem:s17+$0xFFFFFFE0];
	[tilespmem:s18+$0x2850 ss:$0x81] =	vst.msk $0xffff, v3  }
0x32: {  	s21 =	sshra.s32 s19, $0x2;
	s19 =	smov.u32 s20;
	v7 =	vld [tilespmem:s17+$0xFFFFFFF0];
	[tilespmem:s18+$0x3060 ss:$0x81] =	vst.msk $0xffff, v2  }
.Ltmp3:
0x33: {  	v4 =	vld [tilespmem:s17+$0x0];
	[tilespmem:s18+$0x0 ss:$0x81] =	vst.msk $0xffff, v0;
	s18 =	sadd.s32 s21, s16;
	(pc) =	sbr.rel @p1 .LBB1_3-.Ltmp3, $4  }
0x34: {  	v3 =	vld [tilespmem:s17+$0x10];
	[tilespmem:s18+$0x3870 ss:$0x81] =	vst.msk $0xffff, v1  }
0x35: {  	[tilespmem:s18+$0x810 ss:$0x81] =	vst.msk $0xffff, v5;
	v2 =	vld [tilespmem:s17+$0x20]  }
0x36: {  	v0 =	vld [tilespmem:s17+$0xFFFFFFC0];
	[tilespmem:s18+$0x1020 ss:$0x81] =	vst.msk $0xffff, v6;
	s17 =	sadd.s32 $0x80, s17  }
0x37: {  	s20 =	sadd.s32 $0x4, s20;
	v1 =	vld [tilespmem:s17+$0x30];
	[tilespmem:s18+$0x1830 ss:$0x81] =	vst.msk $0xffff, v7  }
0x38: {  	s20 =	sshll.u32 s14, $0x3;
	v5 =	vld [tilespmem:s17+$0xFFFFFFD0];
	[tilespmem:s18+$0x2040 ss:$0x81] =	vst.msk $0xffff, v4  }
0x39: {  	s27 =	sand.u32 $0x7F, s14;
	v58 =	vld [tilespmem:s17+$0xFFFFFFE0];
	s20 =	sand.u32 $0xFFFFFC00, s20;
	[tilespmem:s18+$0x2850 ss:$0x81] =	vst.msk $0xffff, v3  }
0x3a: {  	s19 =	sshra.s32 s19, $0x2;
	v59 =	vld [tilespmem:s17+$0xFFFFFFF0];
	s14 =	sor.u32 s27, s20;
	[tilespmem:s18+$0x3060 ss:$0x81] =	vst.msk $0xffff, v2;
	s29 =	smulhi.u32 $0xAAAAAAAB, s20  }
0x3b: {  	v60 =	vld [tilespmem:s17+$0x0];
	s16 =	sadd.s32 s19, s16;
	s21 =	smulhi.u32 $0xAAAAAAAB, s14;
	[tilespmem:s18+$0x0 ss:$0x81] =	vst.msk $0xffff, v0  }
0x3c: {  	v61 =	vld [tilespmem:s17+$0x10];
	s13 =	smul.u32 $0xC0000, s13;
	[tilespmem:s16+$0x3870 ss:$0x81] =	vst.msk $0xffff, v1  }
0x3d: {  	v62 =	vld [tilespmem:s17+$0x20];
	s12 =	smul.u32 $0x3000, s12;
	s30 =	sshrl.u32 s29, $0x9;
	s28 =	sshrl.u32 s21, $0x9;
	[tilespmem:s16+$0x810 ss:$0x81] =	vst.msk $0xffff, v5  }
0x3e: {  	v63 =	vld [tilespmem:s17+$0xFFFFFFC0];
	[tilespmem:s16+$0x1020 ss:$0x81] =	vst.msk $0xffff, v58;
	s17 =	sand.u32 $0x7F, s30;
	s18 =	smul.u32 $0x300, s28  }
0x3f: {  	[tilespmem:s16+$0x1830 ss:$0x81] =	vst.msk $0xffff, v59;
	s17 =	smul.u32 $0x60, s17  }
.Ltmp4:
0x40: {  	s13 =	sadd.s32 s2, s13;
	[tilespmem:s16+$0x2040 ss:$0x81] =	vst.msk $0xffff, v60;
	s14 =	ssub.s32 s14, s18;
	(pc) =	sbr.rel .LBB1_5-.Ltmp4, $4  }
0x41: {  	s12 =	sadd.s32 s12, s13;
	[tilespmem:s16+$0x2850 ss:$0x81] =	vst.msk $0xffff, v61;
	s31 =	sand.u32 $0x7, s14  }
0x42: {  	[tilespmem:s16+$0x3060 ss:$0x81] =	vst.msk $0xffff, v62;
	s12 =	sadd.s32 s17, s12;
	s14 =	sshrl.u32 s14, $0x3;
	s13 =	sshll.u32 s31, $0x12  }
0x43: {  	[tilespmem:s16+$0x0 ss:$0x81] =	vst.msk $0xffff, v63;
	s12 =	sadd.s32 s14, s12;
	s13 =	sor.u32 $0x400, s13  }
0x44: {  	[hbm4b:s12+s13] =	stream.strided.scatter [tilespmem:s15], [sflag:$0x2], $0x4000, s7, s13, $0x20;
	[tilespmem:$0x10100] =	vst v63  }
.LBB1_6:
0x45: {  	_ =	sfence.sel $0x180000  }
0x46: {  	s2 =	simm.s32 $0x1;
	[bflag:$0x0] =	sbarrier.arrive $0xFFFF  }
0x47: {  	s31 =	simm.s32 $0x2;
	[sflag:s2] =	ssyncpa.u1 $0x1  }
0x48: {  	[sflag:s31] =	ssyncpa.u1 $0x1  }
0x49: {  	p0 =	sne.s32 s1, $0x0;
	_ =	strace $0x90000056  }
0x4a: {  	s0 =	sadd.s32 @!p0 $0x100000, s0;
	[bflag:$0x2] =	sbarrier.arrive $0xFFFF  }
0x4b: {  	[sflag:s0] =	ssyncadd.tile.s32 @!p0 $0x1;
	_ =	shalt  }
.Lfunc_end1:
_tile_overlayer_lowered:
.L_overlay_start_2:
0x4c: {  	(tag) =	ssettag $0x2  }
0x4d: {  	s0 =	rddreg [dreg:$0x0];
	s2 =	stileid.u32  }
0x4e: {  	s1 =	rddreg [dreg:$0x1];
	p0 =	sne.s32 s2, $0x0  }
0x4f: {  	s3 =	rddreg [dreg:$0x2];
	[bflag:$0x3] =	sbarrier.arrive $0xFFFF;
	s2 =	simm.s32 @!p0 $0x1C01  }
0x50: {  	[timem:s3], [sflag:s2] =	dma.local @!p0 [hbm:s0], s1  }
0x51: {  	s0 =	simm.s32 @!p0 $0x1  }
0x52: {  	_ =	swait.ge @!p0 [sflag:s0], s1  }
0x53: {  	s1 =	ssub.s32 @!p0 $0x0, s1;
	[sflag:s0] =	ssyncset.done @!p0 $0x0  }
0x54: {  	[sflag:s0] =	ssyncadd.s32 @!p0 s1  }
0x55: {  	[bflag:$0x3] =	sbarrier.arrive $0xFFFF  }
0x56: {  	_ =	shalt  }

</sc_bundles>
